<compile_context>
chip_gen: v7x
topology: tpu7x:2x2x1
jax: 0.10.2.dev20260603
libtpu: 0.0.44.dev20260713+nightly
codegen_flags: <defaults>
</compile_context>

<pallas_src>
import functools

import jax
import jax.numpy as jnp
from jax import lax
from jax.experimental import pallas as pl
from jax.experimental.pallas import tpu as pltpu
from jax.experimental.pallas import tpu_sc as plsc

B, S, IDIM, EMB, E, HID = 2, 2048, 1024, 128, 8, 1024
T = B * S

BM = 256
NBLK = T // BM + E
P = NBLK * BM

NC, NS = 2, 16
NW = NC * NS
CHUNK = T // NW
SUB = 64
NSUB = CHUNK // SUB
GSUB = 32
NGSUB = CHUNK // GSUB
GW = 128
PW = IDIM // 2 + GW

CT = 2048
NCT = T // CT


def _router_kernel(x_ref, emb_ref, maskf_ref, rw_ref,
                   pos_ref, bexp_ref, xpk_ref, oh_scr, rank_scr, cnt_scr):
    i = pl.program_id(0)

    @pl.when(i == 0)
    def _():
        cnt_scr[...] = jnp.zeros_like(cnt_scr)

    logits = jnp.dot(emb_ref[...], rw_ref[:EMB],
                     preferred_element_type=jnp.float32)
    logits += jnp.dot(x_ref[...], rw_ref[EMB:],
                      preferred_element_type=jnp.float32)
    lmax = jnp.max(logits, axis=-1, keepdims=True)
    ex = jnp.exp(logits - lmax)
    denom = jnp.sum(ex, axis=-1, keepdims=True)
    gate = maskf_ref[...] / denom

    bits = lax.bitcast_convert_type(x_ref[...], jnp.int32)
    hi = bits[:, :IDIM // 2] + 0x8000
    lo = bits[:, IDIM // 2:] + 0x8000
    pack = (hi & jnp.int32(-65536)) | (jnp.right_shift(lo, 16) & 0xffff)
    xpk_ref[:, :IDIM // 2] = lax.bitcast_convert_type(pack, jnp.float32)
    xpk_ref[:, IDIM // 2:] = jnp.broadcast_to(gate, (CT, GW))

    idx = jnp.argmax(logits, axis=-1, keepdims=True).astype(jnp.int32)
    eio = lax.broadcasted_iota(jnp.int32, (CT, E), 1)
    oh = (eio == idx).astype(jnp.float32)
    oh_scr[pl.ds(i * CT, CT), :] = oh

    li = lax.broadcasted_iota(jnp.int32, (CT, CT), 0)
    lj = lax.broadcasted_iota(jnp.int32, (CT, CT), 1)
    lstrict = (lj < li).astype(jnp.float32)
    carry = cnt_scr[...]
    rank_scr[pl.ds(i * CT, CT), :] = (
        jnp.dot(lstrict, oh, preferred_element_type=jnp.float32) + carry)
    cnt_scr[...] = carry + jnp.sum(oh, axis=0, keepdims=True)

    @pl.when(i == NCT - 1)
    def _():
        counts = cnt_scr[...]
        nb = jnp.floor((counts + (BM - 1)) * (1.0 / BM))
        ei = lax.broadcasted_iota(jnp.int32, (E, E), 0)
        ej = lax.broadcasted_iota(jnp.int32, (E, E), 1)
        uppr = (ei < ej).astype(jnp.float32)
        cum_nb = jnp.dot(nb, uppr, preferred_element_type=jnp.float32)
        off = cum_nb * float(BM)

        pos_f = jnp.sum(oh_scr[...] * (rank_scr[...] + off),
                        axis=-1, keepdims=True)
        pos_ref[...] = pos_f.astype(jnp.int32)

        ident = (ei == ej).astype(jnp.float32)
        lstr8 = (ej < ei).astype(jnp.float32)
        nb_col = lax.dot_general(ident, nb, (((1,), (1,)), ((), ())),
                                 preferred_element_type=jnp.float32)
        cum_col = jnp.dot(lstr8, nb_col, preferred_element_type=jnp.float32)
        pio = lax.broadcasted_iota(jnp.int32, (E, NBLK), 1).astype(jnp.float32)
        ge = (pio >= cum_col).astype(jnp.float32)
        bexp_f = jnp.sum(ge, axis=0, keepdims=True) - 1.0
        total = jnp.sum(nb)
        bio = lax.broadcasted_iota(jnp.int32, (1, NBLK), 1).astype(jnp.float32)
        bexp_m = jnp.where(bio < total, bexp_f, -1.0)
        bexp_ref[...] = jnp.concatenate([bexp_f, bexp_m],
                                        axis=0).astype(jnp.int32)


def _router_call(x, emb, maskf, rw):
    return pl.pallas_call(
        _router_kernel,
        grid=(NCT,),
        in_specs=[
            pl.BlockSpec((CT, IDIM), lambda i: (i, 0)),
            pl.BlockSpec((CT, EMB), lambda i: (i, 0)),
            pl.BlockSpec((CT, 1), lambda i: (i, 0)),
            pl.BlockSpec((IDIM + EMB, E), lambda i: (0, 0)),
        ],
        out_specs=[
            pl.BlockSpec((T, 1), lambda i: (0, 0)),
            pl.BlockSpec((2, NBLK), lambda i: (0, 0)),
            pl.BlockSpec((CT, PW), lambda i: (i, 0)),
        ],
        out_shape=[
            jax.ShapeDtypeStruct((T, 1), jnp.int32),
            jax.ShapeDtypeStruct((2, NBLK), jnp.int32),
            jax.ShapeDtypeStruct((T, PW), jnp.float32),
        ],
        scratch_shapes=[pltpu.VMEM((T, E), jnp.float32),
                        pltpu.VMEM((T, E), jnp.float32),
                        pltpu.VMEM((1, E), jnp.float32)],
        compiler_params=pltpu.CompilerParams(
            dimension_semantics=("arbitrary",)),
    )(x, emb, maskf, rw)


def _sc_scatter_call(xpk, pos):
    mesh = plsc.VectorSubcoreMesh(core_axis_name="c", subcore_axis_name="s")

    @functools.partial(
        pl.kernel, mesh=mesh,
        out_type=jax.ShapeDtypeStruct((P, PW), jnp.float32),
        scratch_types=[pltpu.VMEM((NSUB, SUB), jnp.int32),
                       pltpu.VMEM((2, SUB, PW), jnp.float32),
                       pltpu.SemaphoreType.DMA,
                       pltpu.SemaphoreType.DMA,
                       pltpu.SemaphoreType.DMA],
    )
    def k(x_hbm, pos_hbm, xp_hbm, idx_v, rows_v, semld0, semld1, semx):
        wid = lax.axis_index("s") * NC + lax.axis_index("c")
        base = wid * CHUNK
        for j in range(NSUB):
            pltpu.sync_copy(pos_hbm.at[pl.ds(base + j * SUB, SUB)],
                            idx_v.at[j])
        semld = [semld0, semld1]
        cpl = [None] * NSUB
        cpx = [None] * NSUB
        for j in range(min(2, NSUB)):
            cpl[j] = pltpu.async_copy(
                x_hbm.at[pl.ds(base + j * SUB, SUB)], rows_v.at[j],
                semld[j])
        for j in range(NSUB):
            b = j % 2
            cpl[j].wait()
            cpx[j] = pltpu.async_copy(rows_v.at[b], xp_hbm.at[idx_v.at[j]],
                                      semx)
            if j + 2 < NSUB:
                cpx[j].wait()
                cpl[j + 2] = pltpu.async_copy(
                    x_hbm.at[pl.ds(base + (j + 2) * SUB, SUB)],
                    rows_v.at[b], semld[b])
        for j in range(max(NSUB - 2, 0), NSUB):
            cpx[j].wait()

    return k(xpk, pos)


def _ffn_kernel(bexp_sref, xp_ref, w1_ref, b1_ref, w2_ref, b2_ref, out_ref):
    p = pl.program_id(0)

    @pl.when(bexp_sref[1, p] >= 0)
    def _():
        v = lax.bitcast_convert_type(xp_ref[:, :IDIM // 2], jnp.int32)
        xhi = lax.bitcast_convert_type(v, jnp.float32).astype(jnp.bfloat16)
        xlo = lax.bitcast_convert_type(
            jnp.left_shift(v, 16), jnp.float32).astype(jnp.bfloat16)
        w1b = w1_ref[0].astype(jnp.bfloat16)
        h = lax.dot_general(xhi, w1b[:, :IDIM // 2],
                            (((1,), (1,)), ((), ())),
                            preferred_element_type=jnp.float32)
        h += lax.dot_general(xlo, w1b[:, IDIM // 2:],
                             (((1,), (1,)), ((), ())),
                             preferred_element_type=jnp.float32)
        h = jnp.maximum(h + b1_ref[0], 0.0).astype(jnp.bfloat16)
        w2b = w2_ref[0].astype(jnp.bfloat16)
        y = lax.dot_general(h, w2b, (((1,), (1,)), ((), ())),
                            preferred_element_type=jnp.float32)
        out_ref[...] = (y + b2_ref[0]) * xp_ref[:, IDIM // 2:IDIM // 2 + 1]


def _ffn_call(bexp, xp, w1, b1r, w2, b2r):
    grid_spec = pltpu.PrefetchScalarGridSpec(
        num_scalar_prefetch=1,
        grid=(NBLK,),
        in_specs=[
            pl.BlockSpec((BM, PW), lambda p, be: (p, 0)),
            pl.BlockSpec((1, HID, IDIM), lambda p, be: (be[0, p], 0, 0)),
            pl.BlockSpec((1, 1, HID), lambda p, be: (be[0, p], 0, 0)),
            pl.BlockSpec((1, IDIM, HID), lambda p, be: (be[0, p], 0, 0)),
            pl.BlockSpec((1, 1, IDIM), lambda p, be: (be[0, p], 0, 0)),
        ],
        out_specs=pl.BlockSpec((BM, IDIM), lambda p, be: (p, 0)),
    )
    return pl.pallas_call(
        _ffn_kernel,
        grid_spec=grid_spec,
        out_shape=jax.ShapeDtypeStruct((P, IDIM), jnp.float32),
        compiler_params=pltpu.CompilerParams(
            dimension_semantics=("parallel",)),
    )(bexp, xp, w1, b1r, w2, b2r)


def _sc_gather_call(yp, pos):
    mesh = plsc.VectorSubcoreMesh(core_axis_name="c", subcore_axis_name="s")

    @functools.partial(
        pl.kernel, mesh=mesh,
        out_type=jax.ShapeDtypeStruct((T, IDIM), jnp.float32),
        scratch_types=[pltpu.VMEM((CHUNK,), jnp.int32),
                       pltpu.VMEM((2, GSUB, IDIM), jnp.float32),
                       pltpu.SemaphoreType.DMA,
                       pltpu.SemaphoreType.DMA],
    )
    def k(yp_hbm, pos_hbm, out_hbm, idx_v, rows_v, semg, semst):
        wid = lax.axis_index("s") * NC + lax.axis_index("c")
        base = wid * CHUNK
        pltpu.sync_copy(pos_hbm.at[pl.ds(base, CHUNK)], idx_v)
        cpg = [None] * NGSUB
        cst = [None] * NGSUB
        cpg[0] = pltpu.async_copy(yp_hbm.at[idx_v.at[pl.ds(0, GSUB)]],
                                  rows_v.at[0], semg)
        for j in range(NGSUB):
            b = j % 2
            cpg[j].wait()
            cst[j] = pltpu.async_copy(
                rows_v.at[b], out_hbm.at[pl.ds(base + j * GSUB, GSUB)], semst)
            if j + 1 < NGSUB:
                if j >= 1:
                    cst[j - 1].wait()
                cpg[j + 1] = pltpu.async_copy(
                    yp_hbm.at[idx_v.at[pl.ds((j + 1) * GSUB, GSUB)]],
                    rows_v.at[1 - b], semg)
        for j in range(max(NGSUB - 2, 0), NGSUB):
            cst[j].wait()

    return k(yp, pos)


def kernel(inputs, embed, mask, router_weights, w1, b1, w2, b2):
    x = inputs.reshape(T, IDIM)
    emb = embed.reshape(T, EMB)
    maskf = mask.reshape(T, 1).astype(jnp.float32)
    b1r = b1.reshape(E, 1, HID)
    b2r = b2.reshape(E, 1, IDIM)

    pos2, bexp, xpk = _router_call(x, emb, maskf, router_weights)
    pos = pos2.reshape(T)

    xp = _sc_scatter_call(xpk, pos)
    yp = _ffn_call(bexp, xp, w1, b1r, w2, b2r)
    out = _sc_gather_call(yp, pos)
    return out.reshape(B, S, IDIM)

# --- scband reference (transcript-rebuilt; emitter-appended) ---
"""Pipeline reference for scband-local-fmoe-cat-embed-feed-forward-86981677678859 (READ-ONLY COPY).

The authoritative reference and input builder live on the scoring server;
editing this copy changes nothing except your own understanding.
"""

import jax, jax.numpy as jnp
import numpy as np

B, S, IDIM, EMB, E, HID = 2, 2048, 1024, 128, 8, 1024

def setup_inputs(seed: int = 0) -> dict:
    key = jax.random.key(seed)
    ks = jax.random.split(key, 8)
    inputs = jax.random.normal(ks[0], (B, S, IDIM), dtype=jnp.float32)
    embed = jax.random.normal(ks[1], (B, S, EMB), dtype=jnp.float32)
    mask = jnp.ones((B, S), dtype=jnp.int32)
    router_weights = jax.random.normal(ks[2], (IDIM + EMB, E), dtype=jnp.float32) * 0.02
    w1 = jax.random.normal(ks[3], (E, HID, IDIM), dtype=jnp.float32) * 0.02
    b1 = jnp.zeros((E, HID), dtype=jnp.float32)
    w2 = jax.random.normal(ks[4], (E, IDIM, HID), dtype=jnp.float32) * 0.02
    b2 = jnp.zeros((E, IDIM), dtype=jnp.float32)
    return {"inputs": inputs, "embed": embed, "mask": mask,
            "router_weights": router_weights, "w1": w1, "b1": b1,
            "w2": w2, "b2": b2}

def reference(inputs, embed, mask, router_weights, w1, b1, w2, b2):
    # Router: concat(embed, inputs) along feature dim, linear -> softmax -> top-1
    Bq, Sq, idim = inputs.shape
    router_in = jnp.concatenate([embed, inputs], axis=-1)            # [B,S,IDIM+EMB]
    router_logits = jnp.einsum('bsd,de->bse', router_in, router_weights)  # [B,S,E]
    probs = jax.nn.softmax(router_logits, axis=-1)
    gate_value, gate_idx = jax.lax.top_k(probs, 1)                   # [B,S,1]
    # FMoE expert: per-token expert FFN w2(relu(w1(x))) selected by gate_idx
    x = inputs.reshape(-1, idim)                                      # [T, idim]
    idx = gate_idx.reshape(-1)                                        # [T]
    num_experts = w1.shape[0]
    out = jnp.zeros_like(x)
    for e in range(num_experts):
        h = jax.nn.relu(x @ w1[e].T + b1[e])                          # [T, HID]
        y = h @ w2[e].T + b2[e]                                       # [T, idim]
        out = out + jnp.where((idx == e)[:, None], y, 0.0)
    out = out.reshape(Bq, Sq, idim)
    # not keep_expert_output -> multiply by gate value
    out = out * gate_value                                            # broadcast [B,S,1]
    # apply token validity mask (TRT plugin mask semantics)
    out = out * mask[..., None].astype(out.dtype)
    return out

if __name__ == "__main__":
    import jax
    _d = setup_inputs()
    print(jax.jit(kernel)(*tuple(_d.values())))

</pallas_src>

<mosaic_0001>
#map = affine_map<(d0, d1) -> (0, 0)>
#map1 = affine_map<(d0, d1) -> (0)>
module attributes {stable_mosaic.version = 14 : i64} {
  func.func @k(%arg0: i32, %arg1: i32, %arg2: memref<6144x1024xf32, #tpu.memory_space<hbm>>, %arg3: memref<4096xi32, #tpu.memory_space<hbm>>, %arg4: memref<4096x1024xf32, #tpu.memory_space<hbm>>, %arg5: memref<128xi32, #tpu.memory_space<vmem>>, %arg6: memref<2x32x1024xf32, #tpu.memory_space<vmem>>, %arg7: memref<!tpu.dma_semaphore, #tpu.memory_space<semaphore_mem>>, %arg8: memref<!tpu.dma_semaphore, #tpu.memory_space<semaphore_mem>>) attributes {dimension_semantics = [#tpu.dimension_semantics<core_parallel>, #tpu.dimension_semantics<subcore_parallel>], iteration_bounds = array<i64: 2, 16>, scalar_prefetch = 0 : i64, scratch_operands = 4 : i64, tpu.core_type = #tpu.core_type<sc_vector_subcore>, window_params = [{transform_indices = #map}, {transform_indices = #map1}, {transform_indices = #map}]} {
    %mul3A = arith.constant 2 : i32
    %mul3A_0 = arith.muli %arg1, %mul3A : i32
    %add3A = arith.addi %mul3A_0, %arg0 : i32
    %mul3A_1 = arith.constant 128 : i32
    %mul3A_2 = arith.muli %add3A, %mul3A_1 : i32
    "tpu.region"() ({
      %run_scoped3A = tpu.sem_alloc : memref<!tpu.dma_semaphore, #tpu.memory_space<semaphore_mem>>
      %dma_start3A_193 = tpu.memref_slice %arg3[%mul3A_2] : memref<4096xi32, #tpu.memory_space<hbm>> -> memref<128xi32, #tpu.memory_space<hbm>>
      %dma_start3A_194 = tpu.memref_slice %arg3[%mul3A_2] : memref<4096xi32, #tpu.memory_space<hbm>> -> memref<128xi32, #tpu.memory_space<hbm>>
      tpu.enqueue_dma source(%dma_start3A_194 : memref<128xi32, #tpu.memory_space<hbm>>) target(%arg5 : memref<128xi32, #tpu.memory_space<vmem>>) target_semaphore(%run_scoped3A : memref<!tpu.dma_semaphore, #tpu.memory_space<semaphore_mem>>)
      %dma_wait3A_195 = tpu.memref_slice %arg3[%mul3A_2] : memref<4096xi32, #tpu.memory_space<hbm>> -> memref<128xi32, #tpu.memory_space<hbm>>
      %dma_wait3A_196 = tpu.memref_slice %arg3[%mul3A_2] : memref<4096xi32, #tpu.memory_space<hbm>> -> memref<128xi32, #tpu.memory_space<hbm>>
      tpu.wait_dma2 semaphore(%run_scoped3A : memref<!tpu.dma_semaphore, #tpu.memory_space<semaphore_mem>>) src(%dma_wait3A_196 : memref<128xi32, #tpu.memory_space<hbm>>) dst(%arg5 : memref<128xi32, #tpu.memory_space<vmem>>)
      tpu.yield
    }) : () -> ()
    %dma_start3A = arith.constant 0 : i32
    %dma_start3A_3 = arith.constant 0 : i32
    %dma_start3A_4 = arith.constant 0 : i32
    %dma_start3A_5 = tpu.memref_slice %arg6[%dma_start3A, %dma_start3A_3, %dma_start3A_4] : memref<2x32x1024xf32, #tpu.memory_space<vmem>> -> memref<1x32x1024xf32, #tpu.memory_space<vmem>>
    %dma_start3A_6 = tpu.memref_squeeze %dma_start3A_5 : memref<1x32x1024xf32, #tpu.memory_space<vmem>> -> memref<32x1024xf32, #tpu.memory_space<vmem>>
    %dma_start3A_7 = arith.constant 0 : i32
    %dma_start3A_8 = tpu.memref_slice %arg5[%dma_start3A_7] : memref<128xi32, #tpu.memory_space<vmem>> -> memref<32xi32, #tpu.memory_space<vmem>>
    %dma_start3A_9 = arith.constant 0 : i32
    %dma_start3A_10 = arith.constant 0 : i32
    %dma_start3A_11 = tpu.memref_slice %arg2[%dma_start3A_9, %dma_start3A_10] : memref<6144x1024xf32, #tpu.memory_space<hbm>> -> memref<6144x1024xf32, #tpu.memory_space<hbm>>
    tpu.enqueue_indirect_dma source(%dma_start3A_11 : memref<6144x1024xf32, #tpu.memory_space<hbm>>) target(%dma_start3A_6 : memref<32x1024xf32, #tpu.memory_space<vmem>>) offsets(%dma_start3A_8 : memref<32xi32, #tpu.memory_space<vmem>>) semaphore(%arg7 : memref<!tpu.dma_semaphore, #tpu.memory_space<semaphore_mem>>)
    %dma_wait3A = arith.constant 0 : i32
    %dma_wait3A_12 = arith.constant 0 : i32
    %dma_wait3A_13 = arith.constant 0 : i32
    %dma_wait3A_14 = tpu.memref_slice %arg6[%dma_wait3A, %dma_wait3A_12, %dma_wait3A_13] : memref<2x32x1024xf32, #tpu.memory_space<vmem>> -> memref<1x32x1024xf32, #tpu.memory_space<vmem>>
    %dma_wait3A_15 = tpu.memref_squeeze %dma_wait3A_14 : memref<1x32x1024xf32, #tpu.memory_space<vmem>> -> memref<32x1024xf32, #tpu.memory_space<vmem>>
    %dma_wait3A_16 = arith.constant 0 : i32
    %dma_wait3A_17 = tpu.memref_slice %arg5[%dma_wait3A_16] : memref<128xi32, #tpu.memory_space<vmem>> -> memref<32xi32, #tpu.memory_space<vmem>>
    %dma_wait3A_18 = arith.constant 0 : i32
    %dma_wait3A_19 = arith.constant 0 : i32
    %dma_wait3A_20 = tpu.memref_slice %arg2[%dma_wait3A_18, %dma_wait3A_19] : memref<6144x1024xf32, #tpu.memory_space<hbm>> -> memref<6144x1024xf32, #tpu.memory_space<hbm>>
    tpu.wait_indirect_dma semaphore(%arg7 : memref<!tpu.dma_semaphore, #tpu.memory_space<semaphore_mem>>) src(%dma_wait3A_20 : memref<6144x1024xf32, #tpu.memory_space<hbm>>) dst(%dma_wait3A_15 : memref<32x1024xf32, #tpu.memory_space<vmem>>)
    %add3A_21 = arith.constant 0 : i32
    %add3A_22 = arith.addi %mul3A_2, %add3A_21 : i32
    %dma_start3A_23 = arith.constant 0 : i32
    %dma_start3A_24 = arith.constant 0 : i32
    %dma_start3A_25 = arith.constant 0 : i32
    %dma_start3A_26 = tpu.memref_slice %arg6[%dma_start3A_23, %dma_start3A_24, %dma_start3A_25] : memref<2x32x1024xf32, #tpu.memory_space<vmem>> -> memref<1x32x1024xf32, #tpu.memory_space<vmem>>
    %dma_start3A_27 = tpu.memref_squeeze %dma_start3A_26 : memref<1x32x1024xf32, #tpu.memory_space<vmem>> -> memref<32x1024xf32, #tpu.memory_space<vmem>>
    %dma_start3A_28 = arith.constant 0 : i32
    %dma_start3A_29 = tpu.memref_slice %arg4[%add3A_22, %dma_start3A_28] : memref<4096x1024xf32, #tpu.memory_space<hbm>> -> memref<32x1024xf32, #tpu.memory_space<hbm>>
    %dma_start3A_30 = arith.constant 0 : i32
    %dma_start3A_31 = tpu.memref_slice %arg4[%add3A_22, %dma_start3A_30] : memref<4096x1024xf32, #tpu.memory_space<hbm>> -> memref<32x1024xf32, #tpu.memory_space<hbm>>
    %dma_start3A_32 = arith.constant 0 : i32
    %dma_start3A_33 = arith.constant 0 : i32
    %dma_start3A_34 = tpu.memref_slice %arg6[%dma_start3A_23, %dma_start3A_32, %dma_start3A_33] : memref<2x32x1024xf32, #tpu.memory_space<vmem>> -> memref<1x32x1024xf32, #tpu.memory_space<vmem>>
    %dma_start3A_35 = tpu.memref_squeeze %dma_start3A_34 : memref<1x32x1024xf32, #tpu.memory_space<vmem>> -> memref<32x1024xf32, #tpu.memory_space<vmem>>
    tpu.enqueue_dma source(%dma_start3A_35 : memref<32x1024xf32, #tpu.memory_space<vmem>>) target(%dma_start3A_31 : memref<32x1024xf32, #tpu.memory_space<hbm>>) target_semaphore(%arg8 : memref<!tpu.dma_semaphore, #tpu.memory_space<semaphore_mem>>)
    %dma_start3A_36 = arith.constant 1 : i32
    %dma_start3A_37 = arith.constant 0 : i32
    %dma_start3A_38 = arith.constant 0 : i32
    %dma_start3A_39 = tpu.memref_slice %arg6[%dma_start3A_36, %dma_start3A_37, %dma_start3A_38] : memref<2x32x1024xf32, #tpu.memory_space<vmem>> -> memref<1x32x1024xf32, #tpu.memory_space<vmem>>
    %dma_start3A_40 = tpu.memref_squeeze %dma_start3A_39 : memref<1x32x1024xf32, #tpu.memory_space<vmem>> -> memref<32x1024xf32, #tpu.memory_space<vmem>>
    %dma_start3A_41 = arith.constant 32 : i32
    %dma_start3A_42 = tpu.memref_slice %arg5[%dma_start3A_41] : memref<128xi32, #tpu.memory_space<vmem>> -> memref<32xi32, #tpu.memory_space<vmem>>
    %dma_start3A_43 = arith.constant 0 : i32
    %dma_start3A_44 = arith.constant 0 : i32
    %dma_start3A_45 = tpu.memref_slice %arg2[%dma_start3A_43, %dma_start3A_44] : memref<6144x1024xf32, #tpu.memory_space<hbm>> -> memref<6144x1024xf32, #tpu.memory_space<hbm>>
    tpu.enqueue_indirect_dma source(%dma_start3A_45 : memref<6144x1024xf32, #tpu.memory_space<hbm>>) target(%dma_start3A_40 : memref<32x1024xf32, #tpu.memory_space<vmem>>) offsets(%dma_start3A_42 : memref<32xi32, #tpu.memory_space<vmem>>) semaphore(%arg7 : memref<!tpu.dma_semaphore, #tpu.memory_space<semaphore_mem>>)
    %dma_wait3A_46 = arith.constant 1 : i32
    %dma_wait3A_47 = arith.constant 0 : i32
    %dma_wait3A_48 = arith.constant 0 : i32
    %dma_wait3A_49 = tpu.memref_slice %arg6[%dma_wait3A_46, %dma_wait3A_47, %dma_wait3A_48] : memref<2x32x1024xf32, #tpu.memory_space<vmem>> -> memref<1x32x1024xf32, #tpu.memory_space<vmem>>
    %dma_wait3A_50 = tpu.memref_squeeze %dma_wait3A_49 : memref<1x32x1024xf32, #tpu.memory_space<vmem>> -> memref<32x1024xf32, #tpu.memory_space<vmem>>
    %dma_wait3A_51 = arith.constant 32 : i32
    %dma_wait3A_52 = tpu.memref_slice %arg5[%dma_wait3A_51] : memref<128xi32, #tpu.memory_space<vmem>> -> memref<32xi32, #tpu.memory_space<vmem>>
    %dma_wait3A_53 = arith.constant 0 : i32
    %dma_wait3A_54 = arith.constant 0 : i32
    %dma_wait3A_55 = tpu.memref_slice %arg2[%dma_wait3A_53, %dma_wait3A_54] : memref<6144x1024xf32, #tpu.memory_space<hbm>> -> memref<6144x1024xf32, #tpu.memory_space<hbm>>
    tpu.wait_indirect_dma semaphore(%arg7 : memref<!tpu.dma_semaphore, #tpu.memory_space<semaphore_mem>>) src(%dma_wait3A_55 : memref<6144x1024xf32, #tpu.memory_space<hbm>>) dst(%dma_wait3A_50 : memref<32x1024xf32, #tpu.memory_space<vmem>>)
    %add3A_56 = arith.constant 32 : i32
    %add3A_57 = arith.addi %mul3A_2, %add3A_56 : i32
    %dma_start3A_58 = arith.constant 1 : i32
    %dma_start3A_59 = arith.constant 0 : i32
    %dma_start3A_60 = arith.constant 0 : i32
    %dma_start3A_61 = tpu.memref_slice %arg6[%dma_start3A_58, %dma_start3A_59, %dma_start3A_60] : memref<2x32x1024xf32, #tpu.memory_space<vmem>> -> memref<1x32x1024xf32, #tpu.memory_space<vmem>>
    %dma_start3A_62 = tpu.memref_squeeze %dma_start3A_61 : memref<1x32x1024xf32, #tpu.memory_space<vmem>> -> memref<32x1024xf32, #tpu.memory_space<vmem>>
    %dma_start3A_63 = arith.constant 0 : i32
    %dma_start3A_64 = tpu.memref_slice %arg4[%add3A_57, %dma_start3A_63] : memref<4096x1024xf32, #tpu.memory_space<hbm>> -> memref<32x1024xf32, #tpu.memory_space<hbm>>
    %dma_start3A_65 = arith.constant 0 : i32
    %dma_start3A_66 = tpu.memref_slice %arg4[%add3A_57, %dma_start3A_65] : memref<4096x1024xf32, #tpu.memory_space<hbm>> -> memref<32x1024xf32, #tpu.memory_space<hbm>>
    %dma_start3A_67 = arith.constant 0 : i32
    %dma_start3A_68 = arith.constant 0 : i32
    %dma_start3A_69 = tpu.memref_slice %arg6[%dma_start3A_58, %dma_start3A_67, %dma_start3A_68] : memref<2x32x1024xf32, #tpu.memory_space<vmem>> -> memref<1x32x1024xf32, #tpu.memory_space<vmem>>
    %dma_start3A_70 = tpu.memref_squeeze %dma_start3A_69 : memref<1x32x1024xf32, #tpu.memory_space<vmem>> -> memref<32x1024xf32, #tpu.memory_space<vmem>>
    tpu.enqueue_dma source(%dma_start3A_70 : memref<32x1024xf32, #tpu.memory_space<vmem>>) target(%dma_start3A_66 : memref<32x1024xf32, #tpu.memory_space<hbm>>) target_semaphore(%arg8 : memref<!tpu.dma_semaphore, #tpu.memory_space<semaphore_mem>>)
    %dma_wait3A_71 = arith.constant 0 : i32
    %dma_wait3A_72 = arith.constant 0 : i32
    %dma_wait3A_73 = arith.constant 0 : i32
    %dma_wait3A_74 = tpu.memref_slice %arg6[%dma_wait3A_71, %dma_wait3A_72, %dma_wait3A_73] : memref<2x32x1024xf32, #tpu.memory_space<vmem>> -> memref<1x32x1024xf32, #tpu.memory_space<vmem>>
    %dma_wait3A_75 = tpu.memref_squeeze %dma_wait3A_74 : memref<1x32x1024xf32, #tpu.memory_space<vmem>> -> memref<32x1024xf32, #tpu.memory_space<vmem>>
    %dma_wait3A_76 = arith.constant 0 : i32
    %dma_wait3A_77 = tpu.memref_slice %arg4[%add3A_22, %dma_wait3A_76] : memref<4096x1024xf32, #tpu.memory_space<hbm>> -> memref<32x1024xf32, #tpu.memory_space<hbm>>
    %dma_wait3A_78 = arith.constant 0 : i32
    %dma_wait3A_79 = tpu.memref_slice %arg4[%add3A_22, %dma_wait3A_78] : memref<4096x1024xf32, #tpu.memory_space<hbm>> -> memref<32x1024xf32, #tpu.memory_space<hbm>>
    %dma_wait3A_80 = arith.constant 0 : i32
    %dma_wait3A_81 = arith.constant 0 : i32
    %dma_wait3A_82 = tpu.memref_slice %arg6[%dma_wait3A_71, %dma_wait3A_80, %dma_wait3A_81] : memref<2x32x1024xf32, #tpu.memory_space<vmem>> -> memref<1x32x1024xf32, #tpu.memory_space<vmem>>
    %dma_wait3A_83 = tpu.memref_squeeze %dma_wait3A_82 : memref<1x32x1024xf32, #tpu.memory_space<vmem>> -> memref<32x1024xf32, #tpu.memory_space<vmem>>
    tpu.wait_dma2 semaphore(%arg8 : memref<!tpu.dma_semaphore, #tpu.memory_space<semaphore_mem>>) src(%dma_wait3A_83 : memref<32x1024xf32, #tpu.memory_space<vmem>>) dst(%dma_wait3A_79 : memref<32x1024xf32, #tpu.memory_space<hbm>>)
    %dma_start3A_84 = arith.constant 0 : i32
    %dma_start3A_85 = arith.constant 0 : i32
    %dma_start3A_86 = arith.constant 0 : i32
    %dma_start3A_87 = tpu.memref_slice %arg6[%dma_start3A_84, %dma_start3A_85, %dma_start3A_86] : memref<2x32x1024xf32, #tpu.memory_space<vmem>> -> memref<1x32x1024xf32, #tpu.memory_space<vmem>>
    %dma_start3A_88 = tpu.memref_squeeze %dma_start3A_87 : memref<1x32x1024xf32, #tpu.memory_space<vmem>> -> memref<32x1024xf32, #tpu.memory_space<vmem>>
    %dma_start3A_89 = arith.constant 64 : i32
    %dma_start3A_90 = tpu.memref_slice %arg5[%dma_start3A_89] : memref<128xi32, #tpu.memory_space<vmem>> -> memref<32xi32, #tpu.memory_space<vmem>>
    %dma_start3A_91 = arith.constant 0 : i32
    %dma_start3A_92 = arith.constant 0 : i32
    %dma_start3A_93 = tpu.memref_slice %arg2[%dma_start3A_91, %dma_start3A_92] : memref<6144x1024xf32, #tpu.memory_space<hbm>> -> memref<6144x1024xf32, #tpu.memory_space<hbm>>
    tpu.enqueue_indirect_dma source(%dma_start3A_93 : memref<6144x1024xf32, #tpu.memory_space<hbm>>) target(%dma_start3A_88 : memref<32x1024xf32, #tpu.memory_space<vmem>>) offsets(%dma_start3A_90 : memref<32xi32, #tpu.memory_space<vmem>>) semaphore(%arg7 : memref<!tpu.dma_semaphore, #tpu.memory_space<semaphore_mem>>)
    %dma_wait3A_94 = arith.constant 0 : i32
    %dma_wait3A_95 = arith.constant 0 : i32
    %dma_wait3A_96 = arith.constant 0 : i32
    %dma_wait3A_97 = tpu.memref_slice %arg6[%dma_wait3A_94, %dma_wait3A_95, %dma_wait3A_96] : memref<2x32x1024xf32, #tpu.memory_space<vmem>> -> memref<1x32x1024xf32, #tpu.memory_space<vmem>>
    %dma_wait3A_98 = tpu.memref_squeeze %dma_wait3A_97 : memref<1x32x1024xf32, #tpu.memory_space<vmem>> -> memref<32x1024xf32, #tpu.memory_space<vmem>>
    %dma_wait3A_99 = arith.constant 64 : i32
    %dma_wait3A_100 = tpu.memref_slice %arg5[%dma_wait3A_99] : memref<128xi32, #tpu.memory_space<vmem>> -> memref<32xi32, #tpu.memory_space<vmem>>
    %dma_wait3A_101 = arith.constant 0 : i32
    %dma_wait3A_102 = arith.constant 0 : i32
    %dma_wait3A_103 = tpu.memref_slice %arg2[%dma_wait3A_101, %dma_wait3A_102] : memref<6144x1024xf32, #tpu.memory_space<hbm>> -> memref<6144x1024xf32, #tpu.memory_space<hbm>>
    tpu.wait_indirect_dma semaphore(%arg7 : memref<!tpu.dma_semaphore, #tpu.memory_space<semaphore_mem>>) src(%dma_wait3A_103 : memref<6144x1024xf32, #tpu.memory_space<hbm>>) dst(%dma_wait3A_98 : memref<32x1024xf32, #tpu.memory_space<vmem>>)
    %add3A_104 = arith.constant 64 : i32
    %add3A_105 = arith.addi %mul3A_2, %add3A_104 : i32
    %dma_start3A_106 = arith.constant 0 : i32
    %dma_start3A_107 = arith.constant 0 : i32
    %dma_start3A_108 = arith.constant 0 : i32
    %dma_start3A_109 = tpu.memref_slice %arg6[%dma_start3A_106, %dma_start3A_107, %dma_start3A_108] : memref<2x32x1024xf32, #tpu.memory_space<vmem>> -> memref<1x32x1024xf32, #tpu.memory_space<vmem>>
    %dma_start3A_110 = tpu.memref_squeeze %dma_start3A_109 : memref<1x32x1024xf32, #tpu.memory_space<vmem>> -> memref<32x1024xf32, #tpu.memory_space<vmem>>
    %dma_start3A_111 = arith.constant 0 : i32
    %dma_start3A_112 = tpu.memref_slice %arg4[%add3A_105, %dma_start3A_111] : memref<4096x1024xf32, #tpu.memory_space<hbm>> -> memref<32x1024xf32, #tpu.memory_space<hbm>>
    %dma_start3A_113 = arith.constant 0 : i32
    %dma_start3A_114 = tpu.memref_slice %arg4[%add3A_105, %dma_start3A_113] : memref<4096x1024xf32, #tpu.memory_space<hbm>> -> memref<32x1024xf32, #tpu.memory_space<hbm>>
    %dma_start3A_115 = arith.constant 0 : i32
    %dma_start3A_116 = arith.constant 0 : i32
    %dma_start3A_117 = tpu.memref_slice %arg6[%dma_start3A_106, %dma_start3A_115, %dma_start3A_116] : memref<2x32x1024xf32, #tpu.memory_space<vmem>> -> memref<1x32x1024xf32, #tpu.memory_space<vmem>>
    %dma_start3A_118 = tpu.memref_squeeze %dma_start3A_117 : memref<1x32x1024xf32, #tpu.memory_space<vmem>> -> memref<32x1024xf32, #tpu.memory_space<vmem>>
    tpu.enqueue_dma source(%dma_start3A_118 : memref<32x1024xf32, #tpu.memory_space<vmem>>) target(%dma_start3A_114 : memref<32x1024xf32, #tpu.memory_space<hbm>>) target_semaphore(%arg8 : memref<!tpu.dma_semaphore, #tpu.memory_space<semaphore_mem>>)
    %dma_wait3A_119 = arith.constant 1 : i32
    %dma_wait3A_120 = arith.constant 0 : i32
    %dma_wait3A_121 = arith.constant 0 : i32
    %dma_wait3A_122 = tpu.memref_slice %arg6[%dma_wait3A_119, %dma_wait3A_120, %dma_wait3A_121] : memref<2x32x1024xf32, #tpu.memory_space<vmem>> -> memref<1x32x1024xf32, #tpu.memory_space<vmem>>
    %dma_wait3A_123 = tpu.memref_squeeze %dma_wait3A_122 : memref<1x32x1024xf32, #tpu.memory_space<vmem>> -> memref<32x1024xf32, #tpu.memory_space<vmem>>
    %dma_wait3A_124 = arith.constant 0 : i32
    %dma_wait3A_125 = tpu.memref_slice %arg4[%add3A_57, %dma_wait3A_124] : memref<4096x1024xf32, #tpu.memory_space<hbm>> -> memref<32x1024xf32, #tpu.memory_space<hbm>>
    %dma_wait3A_126 = arith.constant 0 : i32
    %dma_wait3A_127 = tpu.memref_slice %arg4[%add3A_57, %dma_wait3A_126] : memref<4096x1024xf32, #tpu.memory_space<hbm>> -> memref<32x1024xf32, #tpu.memory_space<hbm>>
    %dma_wait3A_128 = arith.constant 0 : i32
    %dma_wait3A_129 = arith.constant 0 : i32
    %dma_wait3A_130 = tpu.memref_slice %arg6[%dma_wait3A_119, %dma_wait3A_128, %dma_wait3A_129] : memref<2x32x1024xf32, #tpu.memory_space<vmem>> -> memref<1x32x1024xf32, #tpu.memory_space<vmem>>
    %dma_wait3A_131 = tpu.memref_squeeze %dma_wait3A_130 : memref<1x32x1024xf32, #tpu.memory_space<vmem>> -> memref<32x1024xf32, #tpu.memory_space<vmem>>
    tpu.wait_dma2 semaphore(%arg8 : memref<!tpu.dma_semaphore, #tpu.memory_space<semaphore_mem>>) src(%dma_wait3A_131 : memref<32x1024xf32, #tpu.memory_space<vmem>>) dst(%dma_wait3A_127 : memref<32x1024xf32, #tpu.memory_space<hbm>>)
    %dma_start3A_132 = arith.constant 1 : i32
    %dma_start3A_133 = arith.constant 0 : i32
    %dma_start3A_134 = arith.constant 0 : i32
    %dma_start3A_135 = tpu.memref_slice %arg6[%dma_start3A_132, %dma_start3A_133, %dma_start3A_134] : memref<2x32x1024xf32, #tpu.memory_space<vmem>> -> memref<1x32x1024xf32, #tpu.memory_space<vmem>>
    %dma_start3A_136 = tpu.memref_squeeze %dma_start3A_135 : memref<1x32x1024xf32, #tpu.memory_space<vmem>> -> memref<32x1024xf32, #tpu.memory_space<vmem>>
    %dma_start3A_137 = arith.constant 96 : i32
    %dma_start3A_138 = tpu.memref_slice %arg5[%dma_start3A_137] : memref<128xi32, #tpu.memory_space<vmem>> -> memref<32xi32, #tpu.memory_space<vmem>>
    %dma_start3A_139 = arith.constant 0 : i32
    %dma_start3A_140 = arith.constant 0 : i32
    %dma_start3A_141 = tpu.memref_slice %arg2[%dma_start3A_139, %dma_start3A_140] : memref<6144x1024xf32, #tpu.memory_space<hbm>> -> memref<6144x1024xf32, #tpu.memory_space<hbm>>
    tpu.enqueue_indirect_dma source(%dma_start3A_141 : memref<6144x1024xf32, #tpu.memory_space<hbm>>) target(%dma_start3A_136 : memref<32x1024xf32, #tpu.memory_space<vmem>>) offsets(%dma_start3A_138 : memref<32xi32, #tpu.memory_space<vmem>>) semaphore(%arg7 : memref<!tpu.dma_semaphore, #tpu.memory_space<semaphore_mem>>)
    %dma_wait3A_142 = arith.constant 1 : i32
    %dma_wait3A_143 = arith.constant 0 : i32
    %dma_wait3A_144 = arith.constant 0 : i32
    %dma_wait3A_145 = tpu.memref_slice %arg6[%dma_wait3A_142, %dma_wait3A_143, %dma_wait3A_144] : memref<2x32x1024xf32, #tpu.memory_space<vmem>> -> memref<1x32x1024xf32, #tpu.memory_space<vmem>>
    %dma_wait3A_146 = tpu.memref_squeeze %dma_wait3A_145 : memref<1x32x1024xf32, #tpu.memory_space<vmem>> -> memref<32x1024xf32, #tpu.memory_space<vmem>>
    %dma_wait3A_147 = arith.constant 96 : i32
    %dma_wait3A_148 = tpu.memref_slice %arg5[%dma_wait3A_147] : memref<128xi32, #tpu.memory_space<vmem>> -> memref<32xi32, #tpu.memory_space<vmem>>
    %dma_wait3A_149 = arith.constant 0 : i32
    %dma_wait3A_150 = arith.constant 0 : i32
    %dma_wait3A_151 = tpu.memref_slice %arg2[%dma_wait3A_149, %dma_wait3A_150] : memref<6144x1024xf32, #tpu.memory_space<hbm>> -> memref<6144x1024xf32, #tpu.memory_space<hbm>>
    tpu.wait_indirect_dma semaphore(%arg7 : memref<!tpu.dma_semaphore, #tpu.memory_space<semaphore_mem>>) src(%dma_wait3A_151 : memref<6144x1024xf32, #tpu.memory_space<hbm>>) dst(%dma_wait3A_146 : memref<32x1024xf32, #tpu.memory_space<vmem>>)
    %add3A_152 = arith.constant 96 : i32
    %add3A_153 = arith.addi %mul3A_2, %add3A_152 : i32
    %dma_start3A_154 = arith.constant 1 : i32
    %dma_start3A_155 = arith.constant 0 : i32
    %dma_start3A_156 = arith.constant 0 : i32
    %dma_start3A_157 = tpu.memref_slice %arg6[%dma_start3A_154, %dma_start3A_155, %dma_start3A_156] : memref<2x32x1024xf32, #tpu.memory_space<vmem>> -> memref<1x32x1024xf32, #tpu.memory_space<vmem>>
    %dma_start3A_158 = tpu.memref_squeeze %dma_start3A_157 : memref<1x32x1024xf32, #tpu.memory_space<vmem>> -> memref<32x1024xf32, #tpu.memory_space<vmem>>
    %dma_start3A_159 = arith.constant 0 : i32
    %dma_start3A_160 = tpu.memref_slice %arg4[%add3A_153, %dma_start3A_159] : memref<4096x1024xf32, #tpu.memory_space<hbm>> -> memref<32x1024xf32, #tpu.memory_space<hbm>>
    %dma_start3A_161 = arith.constant 0 : i32
    %dma_start3A_162 = tpu.memref_slice %arg4[%add3A_153, %dma_start3A_161] : memref<4096x1024xf32, #tpu.memory_space<hbm>> -> memref<32x1024xf32, #tpu.memory_space<hbm>>
    %dma_start3A_163 = arith.constant 0 : i32
    %dma_start3A_164 = arith.constant 0 : i32
    %dma_start3A_165 = tpu.memref_slice %arg6[%dma_start3A_154, %dma_start3A_163, %dma_start3A_164] : memref<2x32x1024xf32, #tpu.memory_space<vmem>> -> memref<1x32x1024xf32, #tpu.memory_space<vmem>>
    %dma_start3A_166 = tpu.memref_squeeze %dma_start3A_165 : memref<1x32x1024xf32, #tpu.memory_space<vmem>> -> memref<32x1024xf32, #tpu.memory_space<vmem>>
    tpu.enqueue_dma source(%dma_start3A_166 : memref<32x1024xf32, #tpu.memory_space<vmem>>) target(%dma_start3A_162 : memref<32x1024xf32, #tpu.memory_space<hbm>>) target_semaphore(%arg8 : memref<!tpu.dma_semaphore, #tpu.memory_space<semaphore_mem>>)
    %dma_wait3A_167 = arith.constant 0 : i32
    %dma_wait3A_168 = arith.constant 0 : i32
    %dma_wait3A_169 = arith.constant 0 : i32
    %dma_wait3A_170 = tpu.memref_slice %arg6[%dma_wait3A_167, %dma_wait3A_168, %dma_wait3A_169] : memref<2x32x1024xf32, #tpu.memory_space<vmem>> -> memref<1x32x1024xf32, #tpu.memory_space<vmem>>
    %dma_wait3A_171 = tpu.memref_squeeze %dma_wait3A_170 : memref<1x32x1024xf32, #tpu.memory_space<vmem>> -> memref<32x1024xf32, #tpu.memory_space<vmem>>
    %dma_wait3A_172 = arith.constant 0 : i32
    %dma_wait3A_173 = tpu.memref_slice %arg4[%add3A_105, %dma_wait3A_172] : memref<4096x1024xf32, #tpu.memory_space<hbm>> -> memref<32x1024xf32, #tpu.memory_space<hbm>>
    %dma_wait3A_174 = arith.constant 0 : i32
    %dma_wait3A_175 = tpu.memref_slice %arg4[%add3A_105, %dma_wait3A_174] : memref<4096x1024xf32, #tpu.memory_space<hbm>> -> memref<32x1024xf32, #tpu.memory_space<hbm>>
    %dma_wait3A_176 = arith.constant 0 : i32
    %dma_wait3A_177 = arith.constant 0 : i32
    %dma_wait3A_178 = tpu.memref_slice %arg6[%dma_wait3A_167, %dma_wait3A_176, %dma_wait3A_177] : memref<2x32x1024xf32, #tpu.memory_space<vmem>> -> memref<1x32x1024xf32, #tpu.memory_space<vmem>>
    %dma_wait3A_179 = tpu.memref_squeeze %dma_wait3A_178 : memref<1x32x1024xf32, #tpu.memory_space<vmem>> -> memref<32x1024xf32, #tpu.memory_space<vmem>>
    tpu.wait_dma2 semaphore(%arg8 : memref<!tpu.dma_semaphore, #tpu.memory_space<semaphore_mem>>) src(%dma_wait3A_179 : memref<32x1024xf32, #tpu.memory_space<vmem>>) dst(%dma_wait3A_175 : memref<32x1024xf32, #tpu.memory_space<hbm>>)
    %dma_wait3A_180 = arith.constant 1 : i32
    %dma_wait3A_181 = arith.constant 0 : i32
    %dma_wait3A_182 = arith.constant 0 : i32
    %dma_wait3A_183 = tpu.memref_slice %arg6[%dma_wait3A_180, %dma_wait3A_181, %dma_wait3A_182] : memref<2x32x1024xf32, #tpu.memory_space<vmem>> -> memref<1x32x1024xf32, #tpu.memory_space<vmem>>
    %dma_wait3A_184 = tpu.memref_squeeze %dma_wait3A_183 : memref<1x32x1024xf32, #tpu.memory_space<vmem>> -> memref<32x1024xf32, #tpu.memory_space<vmem>>
    %dma_wait3A_185 = arith.constant 0 : i32
    %dma_wait3A_186 = tpu.memref_slice %arg4[%add3A_153, %dma_wait3A_185] : memref<4096x1024xf32, #tpu.memory_space<hbm>> -> memref<32x1024xf32, #tpu.memory_space<hbm>>
    %dma_wait3A_187 = arith.constant 0 : i32
    %dma_wait3A_188 = tpu.memref_slice %arg4[%add3A_153, %dma_wait3A_187] : memref<4096x1024xf32, #tpu.memory_space<hbm>> -> memref<32x1024xf32, #tpu.memory_space<hbm>>
    %dma_wait3A_189 = arith.constant 0 : i32
    %dma_wait3A_190 = arith.constant 0 : i32
    %dma_wait3A_191 = tpu.memref_slice %arg6[%dma_wait3A_180, %dma_wait3A_189, %dma_wait3A_190] : memref<2x32x1024xf32, #tpu.memory_space<vmem>> -> memref<1x32x1024xf32, #tpu.memory_space<vmem>>
    %dma_wait3A_192 = tpu.memref_squeeze %dma_wait3A_191 : memref<1x32x1024xf32, #tpu.memory_space<vmem>> -> memref<32x1024xf32, #tpu.memory_space<vmem>>
    tpu.wait_dma2 semaphore(%arg8 : memref<!tpu.dma_semaphore, #tpu.memory_space<semaphore_mem>>) src(%dma_wait3A_192 : memref<32x1024xf32, #tpu.memory_space<vmem>>) dst(%dma_wait3A_188 : memref<32x1024xf32, #tpu.memory_space<hbm>>)
    return
  }
}

#map = affine_map<(d0, d1) -> (0, 0)>
#map1 = affine_map<(d0, d1) -> (0)>
module attributes {stable_mosaic.version = 14 : i64} {
  func.func @k(%arg0: i32, %arg1: i32, %arg2: memref<4096x640xf32, #tpu.memory_space<hbm>>, %arg3: memref<4096xi32, #tpu.memory_space<hbm>>, %arg4: memref<6144x640xf32, #tpu.memory_space<hbm>>, %arg5: memref<2x64xi32, #tpu.memory_space<vmem>>, %arg6: memref<2x64x640xf32, #tpu.memory_space<vmem>>, %arg7: memref<!tpu.dma_semaphore, #tpu.memory_space<semaphore_mem>>, %arg8: memref<!tpu.dma_semaphore, #tpu.memory_space<semaphore_mem>>, %arg9: memref<!tpu.dma_semaphore, #tpu.memory_space<semaphore_mem>>) attributes {dimension_semantics = [#tpu.dimension_semantics<core_parallel>, #tpu.dimension_semantics<subcore_parallel>], iteration_bounds = array<i64: 2, 16>, scalar_prefetch = 0 : i64, scratch_operands = 5 : i64, tpu.core_type = #tpu.core_type<sc_vector_subcore>, window_params = [{transform_indices = #map}, {transform_indices = #map1}, {transform_indices = #map}]} {
    %mul3A = arith.constant 2 : i32
    %mul3A_0 = arith.muli %arg1, %mul3A : i32
    %add3A = arith.addi %mul3A_0, %arg0 : i32
    %mul3A_1 = arith.constant 128 : i32
    %mul3A_2 = arith.muli %add3A, %mul3A_1 : i32
    %add3A_3 = arith.constant 0 : i32
    %add3A_4 = arith.addi %mul3A_2, %add3A_3 : i32
    %run_scoped3A = arith.constant 0 : i32
    "tpu.region"() ({
      %run_scoped3A_110 = tpu.sem_alloc : memref<!tpu.dma_semaphore, #tpu.memory_space<semaphore_mem>>
      %dma_start3A_111 = arith.constant 0 : i32
      %dma_start3A_112 = tpu.memref_slice %arg5[%run_scoped3A, %dma_start3A_111] : memref<2x64xi32, #tpu.memory_space<vmem>> -> memref<1x64xi32, #tpu.memory_space<vmem>>
      %dma_start3A_113 = tpu.memref_squeeze %dma_start3A_112 : memref<1x64xi32, #tpu.memory_space<vmem>> -> memref<64xi32, #tpu.memory_space<vmem>>
      %dma_start3A_114 = tpu.memref_slice %arg3[%add3A_4] : memref<4096xi32, #tpu.memory_space<hbm>> -> memref<64xi32, #tpu.memory_space<hbm>>
      %dma_start3A_115 = arith.constant 0 : i32
      %dma_start3A_116 = tpu.memref_slice %arg5[%run_scoped3A, %dma_start3A_115] : memref<2x64xi32, #tpu.memory_space<vmem>> -> memref<1x64xi32, #tpu.memory_space<vmem>>
      %dma_start3A_117 = tpu.memref_squeeze %dma_start3A_116 : memref<1x64xi32, #tpu.memory_space<vmem>> -> memref<64xi32, #tpu.memory_space<vmem>>
      %dma_start3A_118 = tpu.memref_slice %arg3[%add3A_4] : memref<4096xi32, #tpu.memory_space<hbm>> -> memref<64xi32, #tpu.memory_space<hbm>>
      tpu.enqueue_dma source(%dma_start3A_118 : memref<64xi32, #tpu.memory_space<hbm>>) target(%dma_start3A_117 : memref<64xi32, #tpu.memory_space<vmem>>) target_semaphore(%run_scoped3A_110 : memref<!tpu.dma_semaphore, #tpu.memory_space<semaphore_mem>>)
      %dma_wait3A_119 = arith.constant 0 : i32
      %dma_wait3A_120 = tpu.memref_slice %arg5[%run_scoped3A, %dma_wait3A_119] : memref<2x64xi32, #tpu.memory_space<vmem>> -> memref<1x64xi32, #tpu.memory_space<vmem>>
      %dma_wait3A_121 = tpu.memref_squeeze %dma_wait3A_120 : memref<1x64xi32, #tpu.memory_space<vmem>> -> memref<64xi32, #tpu.memory_space<vmem>>
      %dma_wait3A_122 = tpu.memref_slice %arg3[%add3A_4] : memref<4096xi32, #tpu.memory_space<hbm>> -> memref<64xi32, #tpu.memory_space<hbm>>
      %dma_wait3A_123 = arith.constant 0 : i32
      %dma_wait3A_124 = tpu.memref_slice %arg5[%run_scoped3A, %dma_wait3A_123] : memref<2x64xi32, #tpu.memory_space<vmem>> -> memref<1x64xi32, #tpu.memory_space<vmem>>
      %dma_wait3A_125 = tpu.memref_squeeze %dma_wait3A_124 : memref<1x64xi32, #tpu.memory_space<vmem>> -> memref<64xi32, #tpu.memory_space<vmem>>
      %dma_wait3A_126 = tpu.memref_slice %arg3[%add3A_4] : memref<4096xi32, #tpu.memory_space<hbm>> -> memref<64xi32, #tpu.memory_space<hbm>>
      tpu.wait_dma2 semaphore(%run_scoped3A_110 : memref<!tpu.dma_semaphore, #tpu.memory_space<semaphore_mem>>) src(%dma_wait3A_126 : memref<64xi32, #tpu.memory_space<hbm>>) dst(%dma_wait3A_125 : memref<64xi32, #tpu.memory_space<vmem>>)
      tpu.yield
    }) : () -> ()
    %add3A_5 = arith.constant 64 : i32
    %add3A_6 = arith.addi %mul3A_2, %add3A_5 : i32
    %run_scoped3A_7 = arith.constant 1 : i32
    "tpu.region"() ({
      %run_scoped3A_110 = tpu.sem_alloc : memref<!tpu.dma_semaphore, #tpu.memory_space<semaphore_mem>>
      %dma_start3A_111 = arith.constant 0 : i32
      %dma_start3A_112 = tpu.memref_slice %arg5[%run_scoped3A_7, %dma_start3A_111] : memref<2x64xi32, #tpu.memory_space<vmem>> -> memref<1x64xi32, #tpu.memory_space<vmem>>
      %dma_start3A_113 = tpu.memref_squeeze %dma_start3A_112 : memref<1x64xi32, #tpu.memory_space<vmem>> -> memref<64xi32, #tpu.memory_space<vmem>>
      %dma_start3A_114 = tpu.memref_slice %arg3[%add3A_6] : memref<4096xi32, #tpu.memory_space<hbm>> -> memref<64xi32, #tpu.memory_space<hbm>>
      %dma_start3A_115 = arith.constant 0 : i32
      %dma_start3A_116 = tpu.memref_slice %arg5[%run_scoped3A_7, %dma_start3A_115] : memref<2x64xi32, #tpu.memory_space<vmem>> -> memref<1x64xi32, #tpu.memory_space<vmem>>
      %dma_start3A_117 = tpu.memref_squeeze %dma_start3A_116 : memref<1x64xi32, #tpu.memory_space<vmem>> -> memref<64xi32, #tpu.memory_space<vmem>>
      %dma_start3A_118 = tpu.memref_slice %arg3[%add3A_6] : memref<4096xi32, #tpu.memory_space<hbm>> -> memref<64xi32, #tpu.memory_space<hbm>>
      tpu.enqueue_dma source(%dma_start3A_118 : memref<64xi32, #tpu.memory_space<hbm>>) target(%dma_start3A_117 : memref<64xi32, #tpu.memory_space<vmem>>) target_semaphore(%run_scoped3A_110 : memref<!tpu.dma_semaphore, #tpu.memory_space<semaphore_mem>>)
      %dma_wait3A_119 = arith.constant 0 : i32
      %dma_wait3A_120 = tpu.memref_slice %arg5[%run_scoped3A_7, %dma_wait3A_119] : memref<2x64xi32, #tpu.memory_space<vmem>> -> memref<1x64xi32, #tpu.memory_space<vmem>>
      %dma_wait3A_121 = tpu.memref_squeeze %dma_wait3A_120 : memref<1x64xi32, #tpu.memory_space<vmem>> -> memref<64xi32, #tpu.memory_space<vmem>>
      %dma_wait3A_122 = tpu.memref_slice %arg3[%add3A_6] : memref<4096xi32, #tpu.memory_space<hbm>> -> memref<64xi32, #tpu.memory_space<hbm>>
      %dma_wait3A_123 = arith.constant 0 : i32
      %dma_wait3A_124 = tpu.memref_slice %arg5[%run_scoped3A_7, %dma_wait3A_123] : memref<2x64xi32, #tpu.memory_space<vmem>> -> memref<1x64xi32, #tpu.memory_space<vmem>>
      %dma_wait3A_125 = tpu.memref_squeeze %dma_wait3A_124 : memref<1x64xi32, #tpu.memory_space<vmem>> -> memref<64xi32, #tpu.memory_space<vmem>>
      %dma_wait3A_126 = tpu.memref_slice %arg3[%add3A_6] : memref<4096xi32, #tpu.memory_space<hbm>> -> memref<64xi32, #tpu.memory_space<hbm>>
      tpu.wait_dma2 semaphore(%run_scoped3A_110 : memref<!tpu.dma_semaphore, #tpu.memory_space<semaphore_mem>>) src(%dma_wait3A_126 : memref<64xi32, #tpu.memory_space<hbm>>) dst(%dma_wait3A_125 : memref<64xi32, #tpu.memory_space<vmem>>)
      tpu.yield
    }) : () -> ()
    %add3A_8 = arith.constant 0 : i32
    %add3A_9 = arith.addi %mul3A_2, %add3A_8 : i32
    %dma_start3A = arith.constant 0 : i32
    %dma_start3A_10 = arith.constant 0 : i32
    %dma_start3A_11 = arith.constant 0 : i32
    %dma_start3A_12 = tpu.memref_slice %arg6[%dma_start3A, %dma_start3A_10, %dma_start3A_11] : memref<2x64x640xf32, #tpu.memory_space<vmem>> -> memref<1x64x640xf32, #tpu.memory_space<vmem>>
    %dma_start3A_13 = tpu.memref_squeeze %dma_start3A_12 : memref<1x64x640xf32, #tpu.memory_space<vmem>> -> memref<64x640xf32, #tpu.memory_space<vmem>>
    %dma_start3A_14 = arith.constant 0 : i32
    %dma_start3A_15 = tpu.memref_slice %arg2[%add3A_9, %dma_start3A_14] : memref<4096x640xf32, #tpu.memory_space<hbm>> -> memref<64x640xf32, #tpu.memory_space<hbm>>
    %dma_start3A_16 = arith.constant 0 : i32
    %dma_start3A_17 = arith.constant 0 : i32
    %dma_start3A_18 = tpu.memref_slice %arg6[%dma_start3A, %dma_start3A_16, %dma_start3A_17] : memref<2x64x640xf32, #tpu.memory_space<vmem>> -> memref<1x64x640xf32, #tpu.memory_space<vmem>>
    %dma_start3A_19 = tpu.memref_squeeze %dma_start3A_18 : memref<1x64x640xf32, #tpu.memory_space<vmem>> -> memref<64x640xf32, #tpu.memory_space<vmem>>
    %dma_start3A_20 = arith.constant 0 : i32
    %dma_start3A_21 = tpu.memref_slice %arg2[%add3A_9, %dma_start3A_20] : memref<4096x640xf32, #tpu.memory_space<hbm>> -> memref<64x640xf32, #tpu.memory_space<hbm>>
    tpu.enqueue_dma source(%dma_start3A_21 : memref<64x640xf32, #tpu.memory_space<hbm>>) target(%dma_start3A_19 : memref<64x640xf32, #tpu.memory_space<vmem>>) target_semaphore(%arg7 : memref<!tpu.dma_semaphore, #tpu.memory_space<semaphore_mem>>)
    %add3A_22 = arith.constant 64 : i32
    %add3A_23 = arith.addi %mul3A_2, %add3A_22 : i32
    %dma_start3A_24 = arith.constant 1 : i32
    %dma_start3A_25 = arith.constant 0 : i32
    %dma_start3A_26 = arith.constant 0 : i32
    %dma_start3A_27 = tpu.memref_slice %arg6[%dma_start3A_24, %dma_start3A_25, %dma_start3A_26] : memref<2x64x640xf32, #tpu.memory_space<vmem>> -> memref<1x64x640xf32, #tpu.memory_space<vmem>>
    %dma_start3A_28 = tpu.memref_squeeze %dma_start3A_27 : memref<1x64x640xf32, #tpu.memory_space<vmem>> -> memref<64x640xf32, #tpu.memory_space<vmem>>
    %dma_start3A_29 = arith.constant 0 : i32
    %dma_start3A_30 = tpu.memref_slice %arg2[%add3A_23, %dma_start3A_29] : memref<4096x640xf32, #tpu.memory_space<hbm>> -> memref<64x640xf32, #tpu.memory_space<hbm>>
    %dma_start3A_31 = arith.constant 0 : i32
    %dma_start3A_32 = arith.constant 0 : i32
    %dma_start3A_33 = tpu.memref_slice %arg6[%dma_start3A_24, %dma_start3A_31, %dma_start3A_32] : memref<2x64x640xf32, #tpu.memory_space<vmem>> -> memref<1x64x640xf32, #tpu.memory_space<vmem>>
    %dma_start3A_34 = tpu.memref_squeeze %dma_start3A_33 : memref<1x64x640xf32, #tpu.memory_space<vmem>> -> memref<64x640xf32, #tpu.memory_space<vmem>>
    %dma_start3A_35 = arith.constant 0 : i32
    %dma_start3A_36 = tpu.memref_slice %arg2[%add3A_23, %dma_start3A_35] : memref<4096x640xf32, #tpu.memory_space<hbm>> -> memref<64x640xf32, #tpu.memory_space<hbm>>
    tpu.enqueue_dma source(%dma_start3A_36 : memref<64x640xf32, #tpu.memory_space<hbm>>) target(%dma_start3A_34 : memref<64x640xf32, #tpu.memory_space<vmem>>) target_semaphore(%arg8 : memref<!tpu.dma_semaphore, #tpu.memory_space<semaphore_mem>>)
    %dma_wait3A = arith.constant 0 : i32
    %dma_wait3A_37 = arith.constant 0 : i32
    %dma_wait3A_38 = arith.constant 0 : i32
    %dma_wait3A_39 = tpu.memref_slice %arg6[%dma_wait3A, %dma_wait3A_37, %dma_wait3A_38] : memref<2x64x640xf32, #tpu.memory_space<vmem>> -> memref<1x64x640xf32, #tpu.memory_space<vmem>>
    %dma_wait3A_40 = tpu.memref_squeeze %dma_wait3A_39 : memref<1x64x640xf32, #tpu.memory_space<vmem>> -> memref<64x640xf32, #tpu.memory_space<vmem>>
    %dma_wait3A_41 = arith.constant 0 : i32
    %dma_wait3A_42 = tpu.memref_slice %arg2[%add3A_9, %dma_wait3A_41] : memref<4096x640xf32, #tpu.memory_space<hbm>> -> memref<64x640xf32, #tpu.memory_space<hbm>>
    %dma_wait3A_43 = arith.constant 0 : i32
    %dma_wait3A_44 = arith.constant 0 : i32
    %dma_wait3A_45 = tpu.memref_slice %arg6[%dma_wait3A, %dma_wait3A_43, %dma_wait3A_44] : memref<2x64x640xf32, #tpu.memory_space<vmem>> -> memref<1x64x640xf32, #tpu.memory_space<vmem>>
    %dma_wait3A_46 = tpu.memref_squeeze %dma_wait3A_45 : memref<1x64x640xf32, #tpu.memory_space<vmem>> -> memref<64x640xf32, #tpu.memory_space<vmem>>
    %dma_wait3A_47 = arith.constant 0 : i32
    %dma_wait3A_48 = tpu.memref_slice %arg2[%add3A_9, %dma_wait3A_47] : memref<4096x640xf32, #tpu.memory_space<hbm>> -> memref<64x640xf32, #tpu.memory_space<hbm>>
    tpu.wait_dma2 semaphore(%arg7 : memref<!tpu.dma_semaphore, #tpu.memory_space<semaphore_mem>>) src(%dma_wait3A_48 : memref<64x640xf32, #tpu.memory_space<hbm>>) dst(%dma_wait3A_46 : memref<64x640xf32, #tpu.memory_space<vmem>>)
    %dma_start3A_49 = arith.constant 0 : i32
    %dma_start3A_50 = arith.constant 0 : i32
    %dma_start3A_51 = arith.constant 0 : i32
    %dma_start3A_52 = arith.constant 0 : i32
    %dma_start3A_53 = tpu.memref_slice %arg6[%dma_start3A_49, %dma_start3A_51, %dma_start3A_52] : memref<2x64x640xf32, #tpu.memory_space<vmem>> -> memref<1x64x640xf32, #tpu.memory_space<vmem>>
    %dma_start3A_54 = tpu.memref_squeeze %dma_start3A_53 : memref<1x64x640xf32, #tpu.memory_space<vmem>> -> memref<64x640xf32, #tpu.memory_space<vmem>>
    %dma_start3A_55 = arith.constant 0 : i32
    %dma_start3A_56 = tpu.memref_slice %arg5[%dma_start3A_50, %dma_start3A_55] : memref<2x64xi32, #tpu.memory_space<vmem>> -> memref<1x64xi32, #tpu.memory_space<vmem>>
    %dma_start3A_57 = tpu.memref_squeeze %dma_start3A_56 : memref<1x64xi32, #tpu.memory_space<vmem>> -> memref<64xi32, #tpu.memory_space<vmem>>
    %dma_start3A_58 = arith.constant 0 : i32
    %dma_start3A_59 = arith.constant 0 : i32
    %dma_start3A_60 = tpu.memref_slice %arg4[%dma_start3A_58, %dma_start3A_59] : memref<6144x640xf32, #tpu.memory_space<hbm>> -> memref<6144x640xf32, #tpu.memory_space<hbm>>
    tpu.enqueue_indirect_dma source(%dma_start3A_54 : memref<64x640xf32, #tpu.memory_space<vmem>>) target(%dma_start3A_60 : memref<6144x640xf32, #tpu.memory_space<hbm>>) offsets(%dma_start3A_57 : memref<64xi32, #tpu.memory_space<vmem>>) semaphore(%arg9 : memref<!tpu.dma_semaphore, #tpu.memory_space<semaphore_mem>>)
    %dma_wait3A_61 = arith.constant 1 : i32
    %dma_wait3A_62 = arith.constant 0 : i32
    %dma_wait3A_63 = arith.constant 0 : i32
    %dma_wait3A_64 = tpu.memref_slice %arg6[%dma_wait3A_61, %dma_wait3A_62, %dma_wait3A_63] : memref<2x64x640xf32, #tpu.memory_space<vmem>> -> memref<1x64x640xf32, #tpu.memory_space<vmem>>
    %dma_wait3A_65 = tpu.memref_squeeze %dma_wait3A_64 : memref<1x64x640xf32, #tpu.memory_space<vmem>> -> memref<64x640xf32, #tpu.memory_space<vmem>>
    %dma_wait3A_66 = arith.constant 0 : i32
    %dma_wait3A_67 = tpu.memref_slice %arg2[%add3A_23, %dma_wait3A_66] : memref<4096x640xf32, #tpu.memory_space<hbm>> -> memref<64x640xf32, #tpu.memory_space<hbm>>
    %dma_wait3A_68 = arith.constant 0 : i32
    %dma_wait3A_69 = arith.constant 0 : i32
    %dma_wait3A_70 = tpu.memref_slice %arg6[%dma_wait3A_61, %dma_wait3A_68, %dma_wait3A_69] : memref<2x64x640xf32, #tpu.memory_space<vmem>> -> memref<1x64x640xf32, #tpu.memory_space<vmem>>
    %dma_wait3A_71 = tpu.memref_squeeze %dma_wait3A_70 : memref<1x64x640xf32, #tpu.memory_space<vmem>> -> memref<64x640xf32, #tpu.memory_space<vmem>>
    %dma_wait3A_72 = arith.constant 0 : i32
    %dma_wait3A_73 = tpu.memref_slice %arg2[%add3A_23, %dma_wait3A_72] : memref<4096x640xf32, #tpu.memory_space<hbm>> -> memref<64x640xf32, #tpu.memory_space<hbm>>
    tpu.wait_dma2 semaphore(%arg8 : memref<!tpu.dma_semaphore, #tpu.memory_space<semaphore_mem>>) src(%dma_wait3A_73 : memref<64x640xf32, #tpu.memory_space<hbm>>) dst(%dma_wait3A_71 : memref<64x640xf32, #tpu.memory_space<vmem>>)
    %dma_start3A_74 = arith.constant 1 : i32
    %dma_start3A_75 = arith.constant 1 : i32
    %dma_start3A_76 = arith.constant 0 : i32
    %dma_start3A_77 = arith.constant 0 : i32
    %dma_start3A_78 = tpu.memref_slice %arg6[%dma_start3A_74, %dma_start3A_76, %dma_start3A_77] : memref<2x64x640xf32, #tpu.memory_space<vmem>> -> memref<1x64x640xf32, #tpu.memory_space<vmem>>
    %dma_start3A_79 = tpu.memref_squeeze %dma_start3A_78 : memref<1x64x640xf32, #tpu.memory_space<vmem>> -> memref<64x640xf32, #tpu.memory_space<vmem>>
    %dma_start3A_80 = arith.constant 0 : i32
    %dma_start3A_81 = tpu.memref_slice %arg5[%dma_start3A_75, %dma_start3A_80] : memref<2x64xi32, #tpu.memory_space<vmem>> -> memref<1x64xi32, #tpu.memory_space<vmem>>
    %dma_start3A_82 = tpu.memref_squeeze %dma_start3A_81 : memref<1x64xi32, #tpu.memory_space<vmem>> -> memref<64xi32, #tpu.memory_space<vmem>>
    %dma_start3A_83 = arith.constant 0 : i32
    %dma_start3A_84 = arith.constant 0 : i32
    %dma_start3A_85 = tpu.memref_slice %arg4[%dma_start3A_83, %dma_start3A_84] : memref<6144x640xf32, #tpu.memory_space<hbm>> -> memref<6144x640xf32, #tpu.memory_space<hbm>>
    tpu.enqueue_indirect_dma source(%dma_start3A_79 : memref<64x640xf32, #tpu.memory_space<vmem>>) target(%dma_start3A_85 : memref<6144x640xf32, #tpu.memory_space<hbm>>) offsets(%dma_start3A_82 : memref<64xi32, #tpu.memory_space<vmem>>) semaphore(%arg9 : memref<!tpu.dma_semaphore, #tpu.memory_space<semaphore_mem>>)
    %dma_wait3A_86 = arith.constant 0 : i32
    %dma_wait3A_87 = arith.constant 0 : i32
    %dma_wait3A_88 = arith.constant 0 : i32
    %dma_wait3A_89 = arith.constant 0 : i32
    %dma_wait3A_90 = tpu.memref_slice %arg6[%dma_wait3A_86, %dma_wait3A_88, %dma_wait3A_89] : memref<2x64x640xf32, #tpu.memory_space<vmem>> -> memref<1x64x640xf32, #tpu.memory_space<vmem>>
    %dma_wait3A_91 = tpu.memref_squeeze %dma_wait3A_90 : memref<1x64x640xf32, #tpu.memory_space<vmem>> -> memref<64x640xf32, #tpu.memory_space<vmem>>
    %dma_wait3A_92 = arith.constant 0 : i32
    %dma_wait3A_93 = tpu.memref_slice %arg5[%dma_wait3A_87, %dma_wait3A_92] : memref<2x64xi32, #tpu.memory_space<vmem>> -> memref<1x64xi32, #tpu.memory_space<vmem>>
    %dma_wait3A_94 = tpu.memref_squeeze %dma_wait3A_93 : memref<1x64xi32, #tpu.memory_space<vmem>> -> memref<64xi32, #tpu.memory_space<vmem>>
    %dma_wait3A_95 = arith.constant 0 : i32
    %dma_wait3A_96 = arith.constant 0 : i32
    %dma_wait3A_97 = tpu.memref_slice %arg4[%dma_wait3A_95, %dma_wait3A_96] : memref<6144x640xf32, #tpu.memory_space<hbm>> -> memref<6144x640xf32, #tpu.memory_space<hbm>>
    tpu.wait_indirect_dma semaphore(%arg9 : memref<!tpu.dma_semaphore, #tpu.memory_space<semaphore_mem>>) src(%dma_wait3A_91 : memref<64x640xf32, #tpu.memory_space<vmem>>) dst(%dma_wait3A_97 : memref<6144x640xf32, #tpu.memory_space<hbm>>)
    %dma_wait3A_98 = arith.constant 1 : i32
    %dma_wait3A_99 = arith.constant 1 : i32
    %dma_wait3A_100 = arith.constant 0 : i32
    %dma_wait3A_101 = arith.constant 0 : i32
    %dma_wait3A_102 = tpu.memref_slice %arg6[%dma_wait3A_98, %dma_wait3A_100, %dma_wait3A_101] : memref<2x64x640xf32, #tpu.memory_space<vmem>> -> memref<1x64x640xf32, #tpu.memory_space<vmem>>
    %dma_wait3A_103 = tpu.memref_squeeze %dma_wait3A_102 : memref<1x64x640xf32, #tpu.memory_space<vmem>> -> memref<64x640xf32, #tpu.memory_space<vmem>>
    %dma_wait3A_104 = arith.constant 0 : i32
    %dma_wait3A_105 = tpu.memref_slice %arg5[%dma_wait3A_99, %dma_wait3A_104] : memref<2x64xi32, #tpu.memory_space<vmem>> -> memref<1x64xi32, #tpu.memory_space<vmem>>
    %dma_wait3A_106 = tpu.memref_squeeze %dma_wait3A_105 : memref<1x64xi32, #tpu.memory_space<vmem>> -> memref<64xi32, #tpu.memory_space<vmem>>
    %dma_wait3A_107 = arith.constant 0 : i32
    %dma_wait3A_108 = arith.constant 0 : i32
    %dma_wait3A_109 = tpu.memref_slice %arg4[%dma_wait3A_107, %dma_wait3A_108] : memref<6144x640xf32, #tpu.memory_space<hbm>> -> memref<6144x640xf32, #tpu.memory_space<hbm>>
    tpu.wait_indirect_dma semaphore(%arg9 : memref<!tpu.dma_semaphore, #tpu.memory_space<semaphore_mem>>) src(%dma_wait3A_103 : memref<64x640xf32, #tpu.memory_space<vmem>>) dst(%dma_wait3A_109 : memref<6144x640xf32, #tpu.memory_space<hbm>>)
    return
  }
}

module attributes {stable_mosaic.version = 14 : i64} {
  func.func @_router_kernel(%arg0: i32, %arg1: memref<2048x1024xf32, #tpu.memory_space<vmem>>, %arg2: memref<2048x128xf32, #tpu.memory_space<vmem>>, %arg3: memref<2048x1xf32, #tpu.memory_space<vmem>>, %arg4: memref<1152x8xf32, #tpu.memory_space<vmem>>, %arg5: memref<4096x1xi32, #tpu.memory_space<vmem>>, %arg6: memref<2x24xi32, #tpu.memory_space<vmem>>, %arg7: memref<2048x640xf32, #tpu.memory_space<vmem>>, %arg8: memref<4096x8xf32, #tpu.memory_space<vmem>>, %arg9: memref<4096x8xf32, #tpu.memory_space<vmem>>, %arg10: memref<1x8xf32, #tpu.memory_space<vmem>>) attributes {dimension_semantics = [#tpu.dimension_semantics<arbitrary>], iteration_bounds = array<i64: 2>, scalar_prefetch = 0 : i64, scratch_operands = 3 : i64, tpu.core_type = #tpu.core_type<tc>, window_params = [{transform_indices = @transform_0, window_bounds = array<i64: 2048, 1024>}, {transform_indices = @transform_1, window_bounds = array<i64: 2048, 128>}, {transform_indices = @transform_2, window_bounds = array<i64: 2048, 1>}, {pipeline_mode = #tpu.pipeline_mode<synchronous>, transform_indices = @transform_3, window_bounds = array<i64: 1152, 8>}, {pipeline_mode = #tpu.pipeline_mode<synchronous>, transform_indices = @transform_4, window_bounds = array<i64: 4096, 1>}, {pipeline_mode = #tpu.pipeline_mode<synchronous>, transform_indices = @transform_5, window_bounds = array<i64: 2, 24>}, {transform_indices = @transform_6, window_bounds = array<i64: 2048, 640>}]} {
    %eq3A = arith.constant 0 : i32
    %eq3A_0 = arith.cmpi eq, %arg0, %eq3A : i32
    %convert_element_type3A = arith.extui %eq3A_0 : i1 to i32
    %cond3A = arith.constant 0 : i32
    %cond3A_1 = arith.cmpi ne, %convert_element_type3A, %cond3A : i32
    scf.if %cond3A_1 {
      %broadcast_in_dim3A_85 = arith.constant 0.000000e+00 : f32
      %broadcast_in_dim3A_86 = vector.broadcast %broadcast_in_dim3A_85 : f32 to vector<1x8xf32>
      %swap3A_87 = arith.constant 0 : index
      %swap3A_88 = arith.constant 0 : index
      %swap3A_89 = vector.load %arg10[%swap3A_87, %swap3A_88] : memref<1x8xf32, #tpu.memory_space<vmem>>, vector<1x8xf32>
      tpu.vector_store %arg10[%swap3A_87, %swap3A_88], %broadcast_in_dim3A_86 {strides = array<i32>} : memref<1x8xf32, #tpu.memory_space<vmem>>, vector<1x8xf32>,
    } else {
    }
    %get3A = arith.constant 0 : index
    %get3A_2 = arith.constant 0 : index
    %get3A_3 = vector.load %arg2[%get3A, %get3A_2] : memref<2048x128xf32, #tpu.memory_space<vmem>>, vector<2048x128xf32>
    %get3A_4 = arith.constant 0 : index
    %get3A_5 = arith.constant 0 : index
    %get3A_6 = vector.load %arg4[%get3A_4, %get3A_5] : memref<1152x8xf32, #tpu.memory_space<vmem>>, vector<128x8xf32>
    %dot_general3A = arith.constant dense<0.000000e+00> : vector<2048x8xf32>
    %dot_general3A_7 = tpu.matmul %get3A_3, %get3A_6, %dot_general3A {dimension_numbers = #tpu.dot_dimension_numbers<[1], [0], [0], [1], [0, 0, 1, 1], [], []>, transpose_lhs_hint = false} : vector<2048x128xf32>, vector<128x8xf32>, vector<2048x8xf32> -> vector<2048x8xf32>
    %get3A_8 = arith.constant 0 : index
    %get3A_9 = arith.constant 0 : index
    %get3A_10 = vector.load %arg1[%get3A_8, %get3A_9] : memref<2048x1024xf32, #tpu.memory_space<vmem>>, vector<2048x1024xf32>
    %get3A_11 = arith.constant 128 : index
    %get3A_12 = arith.constant 0 : index
    %get3A_13 = vector.load %arg4[%get3A_11, %get3A_12] : memref<1152x8xf32, #tpu.memory_space<vmem>>, vector<1024x8xf32>
    %dot_general3A_14 = arith.constant dense<0.000000e+00> : vector<2048x8xf32>
    %dot_general3A_15 = tpu.matmul %get3A_10, %get3A_13, %dot_general3A_14 {dimension_numbers = #tpu.dot_dimension_numbers<[1], [0], [0], [1], [0, 0, 1, 1], [], []>, transpose_lhs_hint = false} : vector<2048x1024xf32>, vector<1024x8xf32>, vector<2048x8xf32> -> vector<2048x8xf32>
    %add3A = arith.addf %dot_general3A_7, %dot_general3A_15 : vector<2048x8xf32>
    %reduce_max3A = arith.constant dense<0xFF800000> : vector<2048xf32>
    %reduce_max3A_16 = vector.multi_reduction <maximumf>, %add3A, %reduce_max3A [1] : vector<2048x8xf32> to vector<2048xf32>
    %broadcast_in_dim3A = vector.shape_cast %reduce_max3A_16 : vector<2048xf32> to vector<2048x1xf32>
    %sub3A = vector.broadcast %broadcast_in_dim3A : vector<2048x1xf32> to vector<2048x8xf32>
    %sub3A_17 = arith.subf %add3A, %sub3A : vector<2048x8xf32>
    %exp3A = math.exp %sub3A_17 : vector<2048x8xf32>
    %reduce_sum3A = arith.constant dense<0.000000e+00> : vector<2048xf32>
    %reduce_sum3A_18 = vector.multi_reduction <add>, %exp3A, %reduce_sum3A [1] : vector<2048x8xf32> to vector<2048xf32>
    %broadcast_in_dim3A_19 = vector.shape_cast %reduce_sum3A_18 : vector<2048xf32> to vector<2048x1xf32>
    %get3A_20 = arith.constant 0 : index
    %get3A_21 = arith.constant 0 : index
    %get3A_22 = vector.load %arg3[%get3A_20, %get3A_21] : memref<2048x1xf32, #tpu.memory_space<vmem>>, vector<2048x1xf32>
    %div3A = arith.divf %get3A_22, %broadcast_in_dim3A_19 : vector<2048x1xf32>
    %get3A_23 = arith.constant 0 : index
    %get3A_24 = arith.constant 0 : index
    %get3A_25 = vector.load %arg1[%get3A_23, %get3A_24] : memref<2048x1024xf32, #tpu.memory_space<vmem>>, vector<2048x1024xf32>
    %bitcast_convert_type3A = tpu.bitcast %get3A_25 : vector<2048x1024xf32> -> vector<2048x1024xi32>
    %slice3A = vector.extract_strided_slice %bitcast_convert_type3A {offsets = [0, 0], sizes = [2048, 512], strides = [1, 1]} : vector<2048x1024xi32> to vector<2048x512xi32>
    %add3A_26 = arith.constant 32768 : i32
    %add3A_27 = vector.broadcast %add3A_26 : i32 to vector<2048x512xi32>
    %add3A_28 = arith.addi %slice3A, %add3A_27 : vector<2048x512xi32>
    %slice3A_29 = vector.extract_strided_slice %bitcast_convert_type3A {offsets = [0, 512], sizes = [2048, 512], strides = [1, 1]} : vector<2048x1024xi32> to vector<2048x512xi32>
    %add3A_30 = arith.constant 32768 : i32
    %add3A_31 = vector.broadcast %add3A_30 : i32 to vector<2048x512xi32>
    %add3A_32 = arith.addi %slice3A_29, %add3A_31 : vector<2048x512xi32>
    %and3A = arith.constant -65536 : i32
    %and3A_33 = vector.broadcast %and3A : i32 to vector<2048x512xi32>
    %and3A_34 = arith.andi %add3A_28, %and3A_33 : vector<2048x512xi32>
    %shift_right_arithmetic3A = arith.constant 16 : i32
    %shift_right_arithmetic3A_35 = vector.broadcast %shift_right_arithmetic3A : i32 to vector<2048x512xi32>
    %shift_right_arithmetic3A_36 = arith.shrsi %add3A_32, %shift_right_arithmetic3A_35 : vector<2048x512xi32>
    %and3A_37 = arith.constant 65535 : i32
    %and3A_38 = vector.broadcast %and3A_37 : i32 to vector<2048x512xi32>
    %and3A_39 = arith.andi %shift_right_arithmetic3A_36, %and3A_38 : vector<2048x512xi32>
    %or3A = arith.ori %and3A_34, %and3A_39 : vector<2048x512xi32>
    %bitcast_convert_type3A_40 = tpu.bitcast %or3A : vector<2048x512xi32> -> vector<2048x512xf32>
    %swap3A = arith.constant 0 : index
    %swap3A_41 = arith.constant 0 : index
    %swap3A_42 = vector.load %arg7[%swap3A, %swap3A_41] : memref<2048x640xf32, #tpu.memory_space<vmem>>, vector<2048x512xf32>
    tpu.vector_store %arg7[%swap3A, %swap3A_41], %bitcast_convert_type3A_40 {strides = array<i32>} : memref<2048x640xf32, #tpu.memory_space<vmem>>, vector<2048x512xf32>,
    %broadcast_in_dim3A_43 = vector.shape_cast %div3A : vector<2048x1xf32> to vector<2048x1xf32>
    %broadcast_in_dim3A_44 = vector.broadcast %broadcast_in_dim3A_43 : vector<2048x1xf32> to vector<2048x128xf32>
    %swap3A_45 = arith.constant 0 : index
    %swap3A_46 = arith.constant 512 : index
    %swap3A_47 = vector.load %arg7[%swap3A_45, %swap3A_46] : memref<2048x640xf32, #tpu.memory_space<vmem>>, vector<2048x128xf32>
    tpu.vector_store %arg7[%swap3A_45, %swap3A_46], %broadcast_in_dim3A_44 {strides = array<i32>} : memref<2048x640xf32, #tpu.memory_space<vmem>>, vector<2048x128xf32>,
    %argmax3A = tpu.reduce_index %add3A {axis = 1 : i32, kind = #tpu.reduction_kind<arg_max>} : vector<2048x8xf32> -> vector<2048xi32>
    %broadcast_in_dim3A_48 = vector.shape_cast %argmax3A : vector<2048xi32> to vector<2048x1xi32>
    %iota3A = tpu.iota {dimensions = array<i32: 1>} : vector<2048x8xi32>
    %eq3A_49 = vector.broadcast %broadcast_in_dim3A_48 : vector<2048x1xi32> to vector<2048x8xi32>
    %eq3A_50 = arith.cmpi eq, %iota3A, %eq3A_49 : vector<2048x8xi32>
    %convert_element_type3A_51 = arith.extui %eq3A_50 : vector<2048x8xi1> to vector<2048x8xi32>
    %convert_element_type3A_52 = arith.sitofp %convert_element_type3A_51 : vector<2048x8xi32> to vector<2048x8xf32>
    %mul3A = arith.constant 2048 : i32
    %mul3A_53 = arith.muli %arg0, %mul3A : i32
    %swap3A_54 = arith.index_cast %mul3A_53 : i32 to index
    %swap3A_55 = arith.constant 0 : index
    %swap3A_56 = vector.load %arg8[%swap3A_54, %swap3A_55] : memref<4096x8xf32, #tpu.memory_space<vmem>>, vector<2048x8xf32>
    tpu.vector_store %arg8[%swap3A_54, %swap3A_55], %convert_element_type3A_52 {strides = array<i32>} : memref<4096x8xf32, #tpu.memory_space<vmem>>, vector<2048x8xf32>,
    %iota3A_57 = tpu.iota {dimensions = array<i32: 0>} : vector<2048x2048xi32>
    %iota3A_58 = tpu.iota {dimensions = array<i32: 1>} : vector<2048x2048xi32>
    %lt3A = arith.cmpi slt, %iota3A_58, %iota3A_57 : vector<2048x2048xi32>
    %convert_element_type3A_59 = arith.extui %lt3A : vector<2048x2048xi1> to vector<2048x2048xi32>
    %convert_element_type3A_60 = arith.sitofp %convert_element_type3A_59 : vector<2048x2048xi32> to vector<2048x2048xf32>
    %get3A_61 = arith.constant 0 : index
    %get3A_62 = arith.constant 0 : index
    %get3A_63 = vector.load %arg10[%get3A_61, %get3A_62] : memref<1x8xf32, #tpu.memory_space<vmem>>, vector<1x8xf32>
    %dot_general3A_64 = arith.constant dense<0.000000e+00> : vector<2048x8xf32>
    %dot_general3A_65 = tpu.matmul %convert_element_type3A_60, %convert_element_type3A_52, %dot_general3A_64 {dimension_numbers = #tpu.dot_dimension_numbers<[1], [0], [0], [1], [0, 0, 1, 1], [], []>, transpose_lhs_hint = false} : vector<2048x2048xf32>, vector<2048x8xf32>, vector<2048x8xf32> -> vector<2048x8xf32>
    %add3A_66 = vector.broadcast %get3A_63 : vector<1x8xf32> to vector<2048x8xf32>
    %add3A_67 = arith.addf %dot_general3A_65, %add3A_66 : vector<2048x8xf32>
    %mul3A_68 = arith.constant 2048 : i32
    %mul3A_69 = arith.muli %arg0, %mul3A_68 : i32
    %swap3A_70 = arith.index_cast %mul3A_69 : i32 to index
    %swap3A_71 = arith.constant 0 : index
    %swap3A_72 = vector.load %arg9[%swap3A_70, %swap3A_71] : memref<4096x8xf32, #tpu.memory_space<vmem>>, vector<2048x8xf32>
    tpu.vector_store %arg9[%swap3A_70, %swap3A_71], %add3A_67 {strides = array<i32>} : memref<4096x8xf32, #tpu.memory_space<vmem>>, vector<2048x8xf32>,
    %reduce_sum3A_73 = arith.constant dense<0.000000e+00> : vector<8xf32>
    %reduce_sum3A_74 = vector.multi_reduction <add>, %convert_element_type3A_52, %reduce_sum3A_73 [0] : vector<2048x8xf32> to vector<8xf32>
    %broadcast_in_dim3A_75 = vector.shape_cast %reduce_sum3A_74 : vector<8xf32> to vector<1x8xf32>
    %add3A_76 = arith.addf %get3A_63, %broadcast_in_dim3A_75 : vector<1x8xf32>
    %swap3A_77 = arith.constant 0 : index
    %swap3A_78 = arith.constant 0 : index
    %swap3A_79 = vector.load %arg10[%swap3A_77, %swap3A_78] : memref<1x8xf32, #tpu.memory_space<vmem>>, vector<1x8xf32>
    tpu.vector_store %arg10[%swap3A_77, %swap3A_78], %add3A_76 {strides = array<i32>} : memref<1x8xf32, #tpu.memory_space<vmem>>, vector<1x8xf32>,
    %eq3A_80 = arith.constant 1 : i32
    %eq3A_81 = arith.cmpi eq, %arg0, %eq3A_80 : i32
    %convert_element_type3A_82 = arith.extui %eq3A_81 : i1 to i32
    %cond3A_83 = arith.constant 0 : i32
    %cond3A_84 = arith.cmpi ne, %convert_element_type3A_82, %cond3A_83 : i32
    scf.if %cond3A_84 {
      %get3A_85 = arith.constant 0 : index
      %get3A_86 = arith.constant 0 : index
      %get3A_87 = vector.load %arg10[%get3A_85, %get3A_86] : memref<1x8xf32, #tpu.memory_space<vmem>>, vector<1x8xf32>
      %add3A_88 = arith.constant 2.550000e+02 : f32
      %add3A_89 = vector.broadcast %add3A_88 : f32 to vector<1x8xf32>
      %add3A_90 = arith.addf %get3A_87, %add3A_89 : vector<1x8xf32>
      %mul3A_91 = arith.constant 3.906250e-03 : f32
      %mul3A_92 = vector.broadcast %mul3A_91 : f32 to vector<1x8xf32>
      %mul3A_93 = arith.mulf %add3A_90, %mul3A_92 : vector<1x8xf32>
      %floor3A = math.floor %mul3A_93 : vector<1x8xf32>
      %iota3A_94 = tpu.iota {dimensions = array<i32: 0>} : vector<8x8xi32>
      %iota3A_95 = tpu.iota {dimensions = array<i32: 1>} : vector<8x8xi32>
      %lt3A_96 = arith.cmpi slt, %iota3A_94, %iota3A_95 : vector<8x8xi32>
      %convert_element_type3A_97 = arith.extui %lt3A_96 : vector<8x8xi1> to vector<8x8xi32>
      %convert_element_type3A_98 = arith.sitofp %convert_element_type3A_97 : vector<8x8xi32> to vector<8x8xf32>
      %dot_general3A_99 = arith.constant dense<0.000000e+00> : vector<1x8xf32>
      %dot_general3A_100 = tpu.matmul %floor3A, %convert_element_type3A_98, %dot_general3A_99 {dimension_numbers = #tpu.dot_dimension_numbers<[1], [0], [0], [1], [0, 0, 1, 1], [], []>, transpose_lhs_hint = false} : vector<1x8xf32>, vector<8x8xf32>, vector<1x8xf32> -> vector<1x8xf32>
      %mul3A_101 = arith.constant 2.560000e+02 : f32
      %mul3A_102 = vector.broadcast %mul3A_101 : f32 to vector<1x8xf32>
      %mul3A_103 = arith.mulf %dot_general3A_100, %mul3A_102 : vector<1x8xf32>
      %get3A_104 = arith.constant 0 : index
      %get3A_105 = arith.constant 0 : index
      %get3A_106 = vector.load %arg8[%get3A_104, %get3A_105] : memref<4096x8xf32, #tpu.memory_space<vmem>>, vector<4096x8xf32>
      %get3A_107 = arith.constant 0 : index
      %get3A_108 = arith.constant 0 : index
      %get3A_109 = vector.load %arg9[%get3A_107, %get3A_108] : memref<4096x8xf32, #tpu.memory_space<vmem>>, vector<4096x8xf32>
      %add3A_110 = vector.broadcast %mul3A_103 : vector<1x8xf32> to vector<4096x8xf32>
      %add3A_111 = arith.addf %get3A_109, %add3A_110 : vector<4096x8xf32>
      %mul3A_112 = arith.mulf %get3A_106, %add3A_111 : vector<4096x8xf32>
      %reduce_sum3A_113 = arith.constant dense<0.000000e+00> : vector<4096xf32>
      %reduce_sum3A_114 = vector.multi_reduction <add>, %mul3A_112, %reduce_sum3A_113 [1] : vector<4096x8xf32> to vector<4096xf32>
      %broadcast_in_dim3A_115 = vector.shape_cast %reduce_sum3A_114 : vector<4096xf32> to vector<4096x1xf32>
      %convert_element_type3A_116 = arith.fptosi %broadcast_in_dim3A_115 : vector<4096x1xf32> to vector<4096x1xi32>
      %swap3A_117 = arith.constant 0 : index
      %swap3A_118 = arith.constant 0 : index
      %swap3A_119 = vector.load %arg5[%swap3A_117, %swap3A_118] : memref<4096x1xi32, #tpu.memory_space<vmem>>, vector<4096x1xi32>
      tpu.vector_store %arg5[%swap3A_117, %swap3A_118], %convert_element_type3A_116 {strides = array<i32>} : memref<4096x1xi32, #tpu.memory_space<vmem>>, vector<4096x1xi32>,
      %eq3A_120 = arith.cmpi eq, %iota3A_94, %iota3A_95 : vector<8x8xi32>
      %convert_element_type3A_121 = arith.extui %eq3A_120 : vector<8x8xi1> to vector<8x8xi32>
      %convert_element_type3A_122 = arith.sitofp %convert_element_type3A_121 : vector<8x8xi32> to vector<8x8xf32>
      %lt3A_123 = arith.cmpi slt, %iota3A_95, %iota3A_94 : vector<8x8xi32>
      %convert_element_type3A_124 = arith.extui %lt3A_123 : vector<8x8xi1> to vector<8x8xi32>
      %convert_element_type3A_125 = arith.sitofp %convert_element_type3A_124 : vector<8x8xi32> to vector<8x8xf32>
      %dot_general3A_126 = arith.constant dense<0.000000e+00> : vector<8x1xf32>
      %dot_general3A_127 = tpu.matmul %convert_element_type3A_122, %floor3A, %dot_general3A_126 {dimension_numbers = #tpu.dot_dimension_numbers<[1], [1], [0], [0], [0, 0, 1, 0], [], []>, transpose_lhs_hint = false} : vector<8x8xf32>, vector<1x8xf32>, vector<8x1xf32> -> vector<8x1xf32>
      %dot_general3A_128 = arith.constant dense<0.000000e+00> : vector<8x1xf32>
      %dot_general3A_129 = tpu.matmul %convert_element_type3A_125, %dot_general3A_127, %dot_general3A_128 {dimension_numbers = #tpu.dot_dimension_numbers<[1], [0], [0], [1], [0, 0, 1, 1], [], []>, transpose_lhs_hint = false} : vector<8x8xf32>, vector<8x1xf32>, vector<8x1xf32> -> vector<8x1xf32>
      %iota3A_130 = tpu.iota {dimensions = array<i32: 1>} : vector<8x24xi32>
      %convert_element_type3A_131 = arith.sitofp %iota3A_130 : vector<8x24xi32> to vector<8x24xf32>
      %ge3A = vector.broadcast %dot_general3A_129 : vector<8x1xf32> to vector<8x24xf32>
      %ge3A_132 = arith.cmpf oge, %convert_element_type3A_131, %ge3A : vector<8x24xf32>
      %convert_element_type3A_133 = arith.extui %ge3A_132 : vector<8x24xi1> to vector<8x24xi32>
      %convert_element_type3A_134 = arith.sitofp %convert_element_type3A_133 : vector<8x24xi32> to vector<8x24xf32>
      %reduce_sum3A_135 = arith.constant dense<0.000000e+00> : vector<24xf32>
      %reduce_sum3A_136 = vector.multi_reduction <add>, %convert_element_type3A_134, %reduce_sum3A_135 [0] : vector<8x24xf32> to vector<24xf32>
      %broadcast_in_dim3A_137 = vector.shape_cast %reduce_sum3A_136 : vector<24xf32> to vector<1x24xf32>
      %sub3A_138 = arith.constant 1.000000e+00 : f32
      %sub3A_139 = vector.broadcast %sub3A_138 : f32 to vector<1x24xf32>
      %sub3A_140 = arith.subf %broadcast_in_dim3A_137, %sub3A_139 : vector<1x24xf32>
      %reduce_sum3A_141 = vector.shape_cast %floor3A : vector<1x8xf32> to vector<1x1x8xf32>
      %reduce_sum3A_142 = arith.constant dense<0.000000e+00> : vector<1xf32>
      %reduce_sum3A_143 = vector.multi_reduction <add>, %reduce_sum3A_141, %reduce_sum3A_142 [1, 2] : vector<1x1x8xf32> to vector<1xf32>
      %reduce_sum3A_144 = vector.shape_cast %reduce_sum3A_143 : vector<1xf32> to vector<1x1x1xf32>
      %reduce_sum3A_145 = vector.extract %reduce_sum3A_144[0, 0, 0] : f32 from vector<1x1x1xf32>
      %iota3A_146 = tpu.iota {dimensions = array<i32: 1>} : vector<1x24xi32>
      %convert_element_type3A_147 = arith.sitofp %iota3A_146 : vector<1x24xi32> to vector<1x24xf32>
      %lt3A_148 = vector.broadcast %reduce_sum3A_145 : f32 to vector<1x24xf32>
      %lt3A_149 = arith.cmpf olt, %convert_element_type3A_147, %lt3A_148 : vector<1x24xf32>
      %jit3A = arith.constant -1.000000e+00 : f32
      %broadcast_in_dim3A_150 = vector.broadcast %jit3A : f32 to vector<1x24xf32>
      %select_n3A = arith.select %lt3A_149, %sub3A_140, %broadcast_in_dim3A_150 : vector<1x24xi1>, vector<1x24xf32>
      %concatenate3A = tpu.concatenate %sub3A_140, %select_n3A in 0 : vector<1x24xf32>, vector<1x24xf32> -> vector<2x24xf32>
      %convert_element_type3A_151 = arith.fptosi %concatenate3A : vector<2x24xf32> to vector<2x24xi32>
      %swap3A_152 = arith.constant 0 : index
      %swap3A_153 = arith.constant 0 : index
      %swap3A_154 = vector.load %arg6[%swap3A_152, %swap3A_153] : memref<2x24xi32, #tpu.memory_space<vmem>>, vector<2x24xi32>
      tpu.vector_store %arg6[%swap3A_152, %swap3A_153], %convert_element_type3A_151 {strides = array<i32>} : memref<2x24xi32, #tpu.memory_space<vmem>>, vector<2x24xi32>,
    } else {
    }
    return
  }
  func.func @transform_0(%arg0: i32) -> (i32, i32) {
    %c0_i32 = arith.constant 0 : i32
    %c0_i32_0 = arith.constant 0 : i32
    return %arg0, %c0_i32 : i32, i32
  }
  func.func @transform_1(%arg0: i32) -> (i32, i32) {
    %c0_i32 = arith.constant 0 : i32
    %c0_i32_0 = arith.constant 0 : i32
    return %arg0, %c0_i32 : i32, i32
  }
  func.func @transform_2(%arg0: i32) -> (i32, i32) {
    %c0_i32 = arith.constant 0 : i32
    %c0_i32_0 = arith.constant 0 : i32
    return %arg0, %c0_i32 : i32, i32
  }
  func.func @transform_3(%arg0: i32) -> (i32, i32) {
    %c0_i32 = arith.constant 0 : i32
    %c0_i32_0 = arith.constant 0 : i32
    %c0_i32_1 = arith.constant 0 : i32
    return %c0_i32, %c0_i32_0 : i32, i32
  }
  func.func @transform_4(%arg0: i32) -> (i32, i32) {
    %c0_i32 = arith.constant 0 : i32
    %c0_i32_0 = arith.constant 0 : i32
    %c0_i32_1 = arith.constant 0 : i32
    return %c0_i32, %c0_i32_0 : i32, i32
  }
  func.func @transform_5(%arg0: i32) -> (i32, i32) {
    %c0_i32 = arith.constant 0 : i32
    %c0_i32_0 = arith.constant 0 : i32
    %c0_i32_1 = arith.constant 0 : i32
    return %c0_i32, %c0_i32_0 : i32, i32
  }
  func.func @transform_6(%arg0: i32) -> (i32, i32) {
    %c0_i32 = arith.constant 0 : i32
    %c0_i32_0 = arith.constant 0 : i32
    return %arg0, %c0_i32 : i32, i32
  }
}

module attributes {stable_mosaic.version = 14 : i64} {
  func.func @_ffn_kernel(%arg0: i32, %arg1: memref<2x24xi32, #tpu.memory_space<smem>>, %arg2: memref<256x640xf32, #tpu.memory_space<vmem>>, %arg3: memref<1x1024x1024xf32, #tpu.memory_space<vmem>>, %arg4: memref<1x1x1024xf32, #tpu.memory_space<vmem>>, %arg5: memref<1x1024x1024xf32, #tpu.memory_space<vmem>>, %arg6: memref<1x1x1024xf32, #tpu.memory_space<vmem>>, %arg7: memref<256x1024xf32, #tpu.memory_space<vmem>>) attributes {dimension_semantics = [#tpu.dimension_semantics<parallel>], iteration_bounds = array<i64: 24>, scalar_prefetch = 1 : i64, scratch_operands = 0 : i64, tpu.core_type = #tpu.core_type<tc>, window_params = [{transform_indices = @transform_0, window_bounds = array<i64: 256, 640>}, {transform_indices = @transform_1, window_bounds = array<i64: 1, 1024, 1024>}, {transform_indices = @transform_2, window_bounds = array<i64: 1, 1, 1024>}, {transform_indices = @transform_3, window_bounds = array<i64: 1, 1024, 1024>}, {transform_indices = @transform_4, window_bounds = array<i64: 1, 1, 1024>}, {transform_indices = @transform_5, window_bounds = array<i64: 256, 1024>}]} {
    %get3A = arith.constant 1 : index
    %get3A_0 = arith.index_cast %arg0 : i32 to index
    %get3A_1 = memref.load %arg1[%get3A, %get3A_0] : memref<2x24xi32, #tpu.memory_space<smem>>
    %ge3A = arith.constant 0 : i32
    %ge3A_2 = arith.cmpi sge, %get3A_1, %ge3A : i32
    %convert_element_type3A = arith.extui %ge3A_2 : i1 to i32
    %cond3A = arith.constant 0 : i32
    %cond3A_3 = arith.cmpi ne, %convert_element_type3A, %cond3A : i32
    scf.if %cond3A_3 {
      %get3A_4 = arith.constant 0 : index
      %get3A_5 = arith.constant 0 : index
      %get3A_6 = vector.load %arg2[%get3A_4, %get3A_5] : memref<256x640xf32, #tpu.memory_space<vmem>>, vector<256x512xf32>
      %bitcast_convert_type3A = tpu.bitcast %get3A_6 : vector<256x512xf32> -> vector<256x512xi32>
      %bitcast_convert_type3A_7 = tpu.bitcast %bitcast_convert_type3A : vector<256x512xi32> -> vector<256x512xf32>
      %convert_element_type3A_8 = arith.truncf %bitcast_convert_type3A_7 : vector<256x512xf32> to vector<256x512xbf16>
      %shift_left3A = arith.constant 16 : i32
      %shift_left3A_9 = vector.broadcast %shift_left3A : i32 to vector<256x512xi32>
      %shift_left3A_10 = arith.shli %bitcast_convert_type3A, %shift_left3A_9 : vector<256x512xi32>
      %bitcast_convert_type3A_11 = tpu.bitcast %shift_left3A_10 : vector<256x512xi32> -> vector<256x512xf32>
      %convert_element_type3A_12 = arith.truncf %bitcast_convert_type3A_11 : vector<256x512xf32> to vector<256x512xbf16>
      %get3A_13 = arith.constant 0 : index
      %get3A_14 = arith.constant 0 : index
      %get3A_15 = arith.constant 0 : index
      %get3A_16 = vector.load %arg3[%get3A_13, %get3A_14, %get3A_15] : memref<1x1024x1024xf32, #tpu.memory_space<vmem>>, vector<1x1024x1024xf32>
      %get3A_17 = vector.shape_cast %get3A_16 : vector<1x1024x1024xf32> to vector<1024x1024xf32>
      %convert_element_type3A_18 = arith.truncf %get3A_17 : vector<1024x1024xf32> to vector<1024x1024xbf16>
      %slice3A = vector.extract_strided_slice %convert_element_type3A_18 {offsets = [0, 0], sizes = [1024, 512], strides = [1, 1]} : vector<1024x1024xbf16> to vector<1024x512xbf16>
      %dot_general3A = arith.constant dense<0.000000e+00> : vector<256x1024xf32>
      %dot_general3A_19 = tpu.matmul %convert_element_type3A_8, %slice3A, %dot_general3A {dimension_numbers = #tpu.dot_dimension_numbers<[1], [1], [0], [0], [0, 0, 1, 0], [], []>, transpose_lhs_hint = false} : vector<256x512xbf16>, vector<1024x512xbf16>, vector<256x1024xf32> -> vector<256x1024xf32>
      %slice3A_20 = vector.extract_strided_slice %convert_element_type3A_18 {offsets = [0, 512], sizes = [1024, 512], strides = [1, 1]} : vector<1024x1024xbf16> to vector<1024x512xbf16>
      %dot_general3A_21 = arith.constant dense<0.000000e+00> : vector<256x1024xf32>
      %dot_general3A_22 = tpu.matmul %convert_element_type3A_12, %slice3A_20, %dot_general3A_21 {dimension_numbers = #tpu.dot_dimension_numbers<[1], [1], [0], [0], [0, 0, 1, 0], [], []>, transpose_lhs_hint = false} : vector<256x512xbf16>, vector<1024x512xbf16>, vector<256x1024xf32> -> vector<256x1024xf32>
      %add3A = arith.addf %dot_general3A_19, %dot_general3A_22 : vector<256x1024xf32>
      %get3A_23 = arith.constant 0 : index
      %get3A_24 = arith.constant 0 : index
      %get3A_25 = arith.constant 0 : index
      %get3A_26 = vector.load %arg4[%get3A_23, %get3A_24, %get3A_25] : memref<1x1x1024xf32, #tpu.memory_space<vmem>>, vector<1x1x1024xf32>
      %get3A_27 = vector.shape_cast %get3A_26 : vector<1x1x1024xf32> to vector<1x1024xf32>
      %add3A_28 = vector.broadcast %get3A_27 : vector<1x1024xf32> to vector<256x1024xf32>
      %add3A_29 = arith.addf %add3A, %add3A_28 : vector<256x1024xf32>
      %max3A = arith.constant 0.000000e+00 : f32
      %max3A_30 = vector.broadcast %max3A : f32 to vector<256x1024xf32>
      %max3A_31 = arith.maximumf %add3A_29, %max3A_30 : vector<256x1024xf32>
      %convert_element_type3A_32 = arith.truncf %max3A_31 : vector<256x1024xf32> to vector<256x1024xbf16>
      %get3A_33 = arith.constant 0 : index
      %get3A_34 = arith.constant 0 : index
      %get3A_35 = arith.constant 0 : index
      %get3A_36 = vector.load %arg5[%get3A_33, %get3A_34, %get3A_35] : memref<1x1024x1024xf32, #tpu.memory_space<vmem>>, vector<1x1024x1024xf32>
      %get3A_37 = vector.shape_cast %get3A_36 : vector<1x1024x1024xf32> to vector<1024x1024xf32>
      %convert_element_type3A_38 = arith.truncf %get3A_37 : vector<1024x1024xf32> to vector<1024x1024xbf16>
      %dot_general3A_39 = arith.constant dense<0.000000e+00> : vector<256x1024xf32>
      %dot_general3A_40 = tpu.matmul %convert_element_type3A_32, %convert_element_type3A_38, %dot_general3A_39 {dimension_numbers = #tpu.dot_dimension_numbers<[1], [1], [0], [0], [0, 0, 1, 0], [], []>, transpose_lhs_hint = false} : vector<256x1024xbf16>, vector<1024x1024xbf16>, vector<256x1024xf32> -> vector<256x1024xf32>
      %get3A_41 = arith.constant 0 : index
      %get3A_42 = arith.constant 0 : index
      %get3A_43 = arith.constant 0 : index
      %get3A_44 = vector.load %arg6[%get3A_41, %get3A_42, %get3A_43] : memref<1x1x1024xf32, #tpu.memory_space<vmem>>, vector<1x1x1024xf32>
      %get3A_45 = vector.shape_cast %get3A_44 : vector<1x1x1024xf32> to vector<1x1024xf32>
      %add3A_46 = vector.broadcast %get3A_45 : vector<1x1024xf32> to vector<256x1024xf32>
      %add3A_47 = arith.addf %dot_general3A_40, %add3A_46 : vector<256x1024xf32>
      %get3A_48 = arith.constant 0 : index
      %get3A_49 = arith.constant 512 : index
      %get3A_50 = vector.load %arg2[%get3A_48, %get3A_49] : memref<256x640xf32, #tpu.memory_space<vmem>>, vector<256x1xf32>
      %mul3A = vector.broadcast %get3A_50 : vector<256x1xf32> to vector<256x1024xf32>
      %mul3A_51 = arith.mulf %add3A_47, %mul3A : vector<256x1024xf32>
      %swap3A = arith.constant 0 : index
      %swap3A_52 = arith.constant 0 : index
      %swap3A_53 = vector.load %arg7[%swap3A, %swap3A_52] : memref<256x1024xf32, #tpu.memory_space<vmem>>, vector<256x1024xf32>
      tpu.vector_store %arg7[%swap3A, %swap3A_52], %mul3A_51 {strides = array<i32>} : memref<256x1024xf32, #tpu.memory_space<vmem>>, vector<256x1024xf32>,
    } else {
    }
    return
  }
  func.func @transform_0(%arg0: i32, %arg1: memref<2x24xi32, #tpu.memory_space<smem>>) -> (i32, i32) {
    %c0_i32 = arith.constant 0 : i32
    %c0_i32_0 = arith.constant 0 : i32
    return %arg0, %c0_i32 : i32, i32
  }
  func.func @transform_1(%arg0: i32, %arg1: memref<2x24xi32, #tpu.memory_space<smem>>) -> (i32, i32, i32) {
    %get3A = arith.constant 0 : index
    %get3A_0 = arith.index_cast %arg0 : i32 to index
    %get3A_1 = memref.load %arg1[%get3A, %get3A_0] : memref<2x24xi32, #tpu.memory_space<smem>>
    %c0_i32 = arith.constant 0 : i32
    %c0_i32_2 = arith.constant 0 : i32
    %c0_i32_3 = arith.constant 0 : i32
    return %get3A_1, %c0_i32, %c0_i32_2 : i32, i32, i32
  }
  func.func @transform_2(%arg0: i32, %arg1: memref<2x24xi32, #tpu.memory_space<smem>>) -> (i32, i32, i32) {
    %get3A = arith.constant 0 : index
    %get3A_0 = arith.index_cast %arg0 : i32 to index
    %get3A_1 = memref.load %arg1[%get3A, %get3A_0] : memref<2x24xi32, #tpu.memory_space<smem>>
    %c0_i32 = arith.constant 0 : i32
    %c0_i32_2 = arith.constant 0 : i32
    %c0_i32_3 = arith.constant 0 : i32
    return %get3A_1, %c0_i32, %c0_i32_2 : i32, i32, i32
  }
  func.func @transform_3(%arg0: i32, %arg1: memref<2x24xi32, #tpu.memory_space<smem>>) -> (i32, i32, i32) {
    %get3A = arith.constant 0 : index
    %get3A_0 = arith.index_cast %arg0 : i32 to index
    %get3A_1 = memref.load %arg1[%get3A, %get3A_0] : memref<2x24xi32, #tpu.memory_space<smem>>
    %c0_i32 = arith.constant 0 : i32
    %c0_i32_2 = arith.constant 0 : i32
    %c0_i32_3 = arith.constant 0 : i32
    return %get3A_1, %c0_i32, %c0_i32_2 : i32, i32, i32
  }
  func.func @transform_4(%arg0: i32, %arg1: memref<2x24xi32, #tpu.memory_space<smem>>) -> (i32, i32, i32) {
    %get3A = arith.constant 0 : index
    %get3A_0 = arith.index_cast %arg0 : i32 to index
    %get3A_1 = memref.load %arg1[%get3A, %get3A_0] : memref<2x24xi32, #tpu.memory_space<smem>>
    %c0_i32 = arith.constant 0 : i32
    %c0_i32_2 = arith.constant 0 : i32
    %c0_i32_3 = arith.constant 0 : i32
    return %get3A_1, %c0_i32, %c0_i32_2 : i32, i32, i32
  }
  func.func @transform_5(%arg0: i32, %arg1: memref<2x24xi32, #tpu.memory_space<smem>>) -> (i32, i32) {
    %c0_i32 = arith.constant 0 : i32
    %c0_i32_0 = arith.constant 0 : i32
    return %arg0, %c0_i32 : i32, i32
  }
}

</mosaic_0001>

<sc_bundles>
// kernel: kernel.6.cloned.1.call-start
scs
__scs_entry_jumppad:
0x0: {  	(pc) =	sbr.rel $0x88, $3  }
0x1: {  	(tag) =	ssettag $0x0;
	lr =	simm.s32 $0x1  }
0x2: {  	[smem:$0x3F99] =	sst lr;
	_ =	strace $0xD0000000  }
0x3: {  	_ = 	snop  }
0x4: {  	_ = 	snop  }
0x5: {  	_ = 	snop  }
0x6: {  	_ = 	snop  }
0x7: {  	_ = 	snop  }
__scs_overlays_trampoline_lowered:
0x8: {  	[smem:$0x3FA8] =	sst s0  }
0x9: {  	[smem:$0x3FA9] =	sst s1  }
0xa: {  	[smem:$0x3FAA] =	sst s2  }
0xb: {  	[smem:$0x3FAB] =	sst s3  }
0xc: {  	[smem:$0x3FAC] =	sst s4  }
0xd: {  	[smem:$0x3FAD] =	sst s5  }
0xe: {  	[smem:$0x3FAE] =	sst s6  }
0xf: {  	[smem:$0x3FAF] =	sst s7  }
0x10: {  	[smem:$0x3FB0] =	sst s8  }
0x11: {  	[smem:$0x3FB1] =	sst s9;
	s0 =	simm.s32 @!p0 $0x0  }
0x12: {  	s1 =	sld [smem:$0x3F97];
	s0 =	simm.s32 @p0 $0x1  }
0x13: {  	[smem:$0x3FB2] =	sst s0;
	s0 =	simm.s32 @!p1 $0x0  }
0x14: {  	s2 =	sld [smem:$0x3F96];
	s0 =	simm.s32 @p1 $0x1  }
0x15: {  	[smem:$0x3FB3] =	sst s0;
	s0 =	simm.s32 @!p2 $0x0  }
0x16: {  	s3 =	sld [smem:$0x3FDB];
	s0 =	simm.s32 @p2 $0x1  }
0x17: {  	s4 =	simm.s32 $0x1BF5;
	[smem:$0x3FB5] =	sst s0  }
0x18: {  	s0 =	sld [smem:$0x3F98];
	_ =	swait.ge [sflag:s4], $0x0  }
0x19: {  	s7 =	sld [smem:$0x3F99]  }
0x1a: {  	s8 =	sadd.s32 $0xFFFFE003, lr  }
0x1b: {  	s9 =	sadd.s32 $0xFFFFFEF7, lr;
	s5 =	simm.s32 $0xFFFFFFFF;
	p2 =	slt.u32 s8, $0xFFFFF086  }
0x1c: {  	p1 =	slt.u32 s9, $0xF7A;
	s5 =	simm.s32 @!p2 $0x0  }
0x1d: {  	s5 =	simm.s32 @p1 $0x1;
	p0 =	seq.s32 s7, s2  }
0x1e: {  	s7 =	smul.u32 @!p0 $0xF7A, s2;
	p2 =	seq.s32 @!p0 s5, $0x0  }
0x1f: {  	s9 =	smul.u32 $0xF7A, s1;
	s8 =	simm.s32 @!p0 $0x1BF5;
	p2 =	por !p2, p0  }
0x20: {  	[sflag:s8] =	ssyncset.s32 @!p0 $0xFFFFF086;
	s6 =	sadd.s32 @!p0 s3, s7;
	s7 =	simm.s32 @!p0 $0x108  }
0x21: {  	s3 =	sadd.s32 s3, s9;
	s6 =	sadd.s32 @!p0 $0x88, s6;
	s7 =	simm.s32 @p2 $0x1082  }
0x22: {  	[simem:s7], [sflag:s8] =	dma.local @!p0 [hbm:s6], $0xF7A  }
0x23: {  	s9 =	sor.u32 $0xD0000000, s2;
	s6 =	simm.s32 $0x108;
	_ =	swait.ge @!p0 [sflag:s8], $0x0  }
0x24: {  	s3 =	sadd.s32 $0x88, s3;
	s6 =	simm.s32 @!p1 $0x1082;
	[sflag:s4] =	ssyncset.s32 $0xFFFFF086  }
0x25: {  	[simem:s6], [sflag:s4] =	dma.local [hbm:s3], $0xF7A  }
0x26: {  	[smem:$0x3F99] =	sst s1;
	(tag) =	ssettag s2;
	_ =	strace s9  }
0x27: {  	s1 =	sld [smem:$0x3FA9]  }
0x28: {  	s2 =	sld [smem:$0x3FAA]  }
0x29: {  	s4 =	sld [smem:$0x3FAC]  }
0x2a: {  	p0 =	seq.s32 s5, $0x0;
	s5 =	sld [smem:$0x3FAD]  }
0x2b: {  	s6 =	sld [smem:$0x3FAE]  }
0x2c: {  	s7 =	sld [smem:$0x3FAF]  }
0x2d: {  	s3 =	simm.s32 $0x108;
	s8 =	sld [smem:$0x3FB0]  }
0x2e: {  	s3 =	simm.s32 @!p0 $0x1082;
	s9 =	sld [smem:$0x3FB1]  }
0x2f: {  	lr =	sadd.s32 s0, s3;
	s0 =	sld [smem:$0x3FA8]  }
0x30: {  	s3 =	sld [smem:$0x3FAB]  }
0x31: {  	[smem:$0x3FB4] =	sst s10  }
0x32: {  	s10 =	sld [smem:$0x3FB2];
	_ =	sdelay $0x3  }
0x33: {  	p0 =	seq.s32 s10, $0x1;
	s10 =	sld [smem:$0x3FB4];
	_ =	sdelay $0x3  }
0x34: {  	[smem:$0x3FB4] =	sst s10  }
0x35: {  	s10 =	sld [smem:$0x3FB3];
	_ =	sdelay $0x3  }
0x36: {  	p1 =	seq.s32 s10, $0x1;
	s10 =	sld [smem:$0x3FB4];
	_ =	sdelay $0x3  }
0x37: {  	[smem:$0x3FB4] =	sst s10  }
0x38: {  	s10 =	sld [smem:$0x3FB5]  }
0x39: {  	_ = 	snop;
	(pc) =	sbr.ind lr, $3  }
0x3a: {  	_ = 	snop  }
0x3b: {  	_ = 	snop  }
0x3c: {  	p2 =	seq.s32 s10, $0x1;
	s10 =	sld [smem:$0x3FB4]  }
0x3d: {  	_ =	shalt  }
0x3e: {  	_ =	shalt  }
0x3f: {  	_ =	shalt  }
0x40: {  	_ =	shalt  }
0x41: {  	_ =	shalt  }
0x42: {  	_ =	shalt  }
0x43: {  	_ =	shalt  }
0x44: {  	_ =	shalt  }
0x45: {  	_ =	shalt  }
0x46: {  	_ =	shalt  }
0x47: {  	_ =	shalt  }
0x48: {  	_ =	shalt  }
0x49: {  	_ =	shalt  }
0x4a: {  	_ =	shalt  }
0x4b: {  	_ =	shalt  }
0x4c: {  	_ =	shalt  }
0x4d: {  	_ =	shalt  }
0x4e: {  	_ =	shalt  }
0x4f: {  	_ =	shalt  }
0x50: {  	_ =	shalt  }
0x51: {  	_ =	shalt  }
0x52: {  	_ =	shalt  }
0x53: {  	_ =	shalt  }
0x54: {  	_ =	shalt  }
0x55: {  	_ =	shalt  }
0x56: {  	_ =	shalt  }
0x57: {  	_ =	shalt  }
0x58: {  	_ =	shalt  }
0x59: {  	_ =	shalt  }
0x5a: {  	_ =	shalt  }
0x5b: {  	_ =	shalt  }
0x5c: {  	_ =	shalt  }
0x5d: {  	_ =	shalt  }
0x5e: {  	_ =	shalt  }
0x5f: {  	_ =	shalt  }
0x60: {  	_ =	shalt  }
0x61: {  	_ =	shalt  }
0x62: {  	_ =	shalt  }
0x63: {  	_ =	shalt  }
0x64: {  	_ =	shalt  }
0x65: {  	_ =	shalt  }
0x66: {  	_ =	shalt  }
0x67: {  	_ =	shalt  }
0x68: {  	_ =	shalt  }
0x69: {  	_ =	shalt  }
0x6a: {  	_ =	shalt  }
0x6b: {  	_ =	shalt  }
0x6c: {  	_ =	shalt  }
0x6d: {  	_ =	shalt  }
0x6e: {  	_ =	shalt  }
0x6f: {  	_ =	shalt  }
0x70: {  	_ =	shalt  }
0x71: {  	_ =	shalt  }
0x72: {  	_ =	shalt  }
0x73: {  	_ =	shalt  }
0x74: {  	_ =	shalt  }
0x75: {  	_ =	shalt  }
0x76: {  	_ =	shalt  }
0x77: {  	_ =	shalt  }
0x78: {  	_ =	shalt  }
0x79: {  	_ =	shalt  }
0x7a: {  	_ =	shalt  }
0x7b: {  	_ =	shalt  }
0x7c: {  	_ =	shalt  }
0x7d: {  	_ =	shalt  }
0x7e: {  	_ =	shalt  }
0x7f: {  	_ =	shalt  }
0x80: {  	_ =	shalt  }
0x81: {  	_ =	shalt  }
0x82: {  	_ =	shalt  }
0x83: {  	_ =	shalt  }
0x84: {  	_ =	shalt  }
0x85: {  	_ =	shalt  }
0x86: {  	_ =	shalt  }
0x87: {  	_ =	shalt  }
.Lfunc_end0:
.L_simem_size_0:
called_computation_lowered:
.L_overlay_start_0:
0x88: {  	s2 =	sld [smem:$0x3FD9]  }
0x89: {  	s3 =	sld [smem:$0x3FFE];
	_ =	sdelay $0x1  }
0x8a: {  	s1 =	srdreg.scid  }
0x8b: {  	s0 =	sand.u32 $0x1, s1  }
0x8c: {  	s17 =	sshll.u32 s0, $0xA;
	s2 =	sadd.s32 s3, s2  }
0x8d: {  	s2 =	sadd.s32 s2, s17  }
0x8e: {  	[smem:$0x3FC0] =	sst s2  }
0x8f: {  	_ = 	snop  }
0x90: {  	s2 =	sld [smem:$0x3FD0];
	(tm) =	ssettm $0x1  }
0x91: {  	s18 =	sld [smem:$0x3FFB];
	_ =	sdelay $0x3  }
0x92: {  	_ =	strace s18  }
0x93: {  	s3 =	sld [smem:$0x3FFC];
	_ =	sdelay $0x3  }
0x94: {  	_ =	strace s3  }
0x95: {  	s3 =	sld [smem:$0x3FFD];
	_ =	sdelay $0x3  }
0x96: {  	_ =	strace s3  }
0x97: {  	_ =	strace $0x8FFFFFFF  }
0x98: {  	s19 =	sld [smem:$0x3FDB];
	_ =	sdelay $0x1  }
0x99: {  	s4 =	simm.s32 $_scs_section_size  }
0x9a: {  	s5 =	simm.s32 $_size__tile_overlayer_lowered;
	s6 =	simm.s32 $_tile_overlayer_lowered  }
0x9b: {  	s22 =	simm.s32 $0x1BFF;
	s21 =	sshll.u32 s6, $0x1;
	s3 =	sadd.s32 s4, s19  }
0x9c: {  	s7 =	simm.s32 $0x0;
	s20 =	sshll.u32 s5, $0x1;
	s5 =	sadd.s32 s21, s3  }
0x9d: {  	[timem:s7], [sflag:s22] =	dma.local [hbm:s5], s20  }
0x9e: {  	_ =	swait.ge [sflag:s22], s20  }
0x9f: {  	s4 =	ssub.s32 $0x0, s20;
	[sflag:s22] =	ssyncset.done $0x0  }
0xa0: {  	[sflag:s22] =	ssyncadd.s32 s4;
	_ =	sdelay $0x1  }
0xa1: {  	s23 =	simm.s32 $0x1B8B  }
0xa2: {  	_ =	swait.ge [sflag:s23], $0x1  }
0xa3: {  	[sflag:s23] =	ssyncset.done $0x0  }
0xa4: {  	s25 =	simm.s32 $0x1B8E;
	s24 =	sld [smem:$0x3FFE];
	[sflag:s23] =	ssyncadd.s32 $0xFFFFFFFF  }
0xa5: {  	s26 =	simm.s32 $execute0_lowered;
	[smem:$0x3FD2] =	sst s25  }
0xa6: {  	s5 =	sshll.u32 s26, $0x1;
	_ =	strace $0x80000046;
	[dreg:$0x1] =	wrdreg $0xFFFFFFFF  }
0xa7: {  	s28 =	simm.s32 $_size_execute0_lowered;
	s3 =	sadd.s32 s3, s5;
	[dreg:$0x0] =	wrdreg $0x0  }
0xa8: {  	s5 =	sshll.u32 s28, $0x1;
	[dreg:$0x2] =	wrdreg s3  }
0xa9: {  	[dreg:$0x3] =	wrdreg s5  }
0xaa: {  	[dreg:$0x4] =	wrdreg $0xC0  }
0xab: {  	_ =	task [dreg:s7], $0x5FFFF  }
0xac: {  	[dreg:$0x1] =	wrdreg $0xFFFFFFFF  }
0xad: {  	[dreg:$0x0] =	wrdreg $0x60  }
0xae: {  	[dreg:$0x2] =	wrdreg s24  }
0xaf: {  	[dreg:$0x3] =	wrdreg s2  }
0xb0: {  	[dreg:$0x4] =	wrdreg $0x9  }
0xb1: {  	_ =	task.clear_ibuf [dreg:s7], $0x5FFFF;
	_ =	strace $0x90000046  }
0xb2: {  	s29 =	simm.s32 $0x9;
	_ =	strace $0x80000048  }
0xb3: {  	_ =	swait.ge [sflag:s29], $0x1  }
0xb4: {  	[sflag:s29] =	ssyncadd.s32 $0xFFFFFFFF  }
0xb5: {  	_ =	strace $0x90000048  }
0xb6: {  	_ =	sfence  }
0xb7: {  	s30 =	sld [smem:$0x0];
	_ =	sdelay $0x2  }
0xb8: {  	s31 =	sshll.u32 s1, $0xD;
	s1 =	sshrl.u32 s1, $0x2  }
0xb9: {  	s3 =	sand.u32 $0x4000, s31;
	s1 =	sadd.s32 s1, s30  }
0xba: {  	s0 =	sor.u32 s3, s0;
	s1 =	sshll.u32 s1, $0x11  }
0xbb: {  	s0 =	sor.u32 s1, s0  }
0xbc: {  	s0 =	sadd.s32 $0x8F2B, s0  }
0xbd: {  	[sflag:s0] =	ssyncadd.remote.s32 $0x1  }
0xbe: {  	_ =	sfence.sel $0xFFFF  }
0xbf: {  	[dreg:$0x0] =	wrdreg $0xFFFFFFFF;
	(pc) =	sbr.abs _section_cstart, $3  }
0xc0: {  	[dreg:$0x1] =	wrdreg $0xFFFFFFFF  }
0xc1: {  	_ =	task.clear_ibuf [dreg:s7], $0x2FFFF;
	_ =	strace $0x9FFFFFFF  }
0xc2: {  	(tm) =	ssettm $0x7FFFFFFF  }
0xc3: {  	_ =	shalt  }
tec
execute0_lowered:
.L_overlay_start_1:
0x0: {  	(tag) =	ssettag $0x1  }
0x1: {  	s0 =	rddreg [dreg:$0x0]  }
0x2: {  	s1 =	rddreg [dreg:$0x1];
	s3 =	simm.s32 $0x0  }
0x3: {  	s20 =	simm.s32 $0x80;
	[smem:$0x7FF] =	sst s3  }
0x4: {  	s21 =	simm.s32 $0x900;
	_ =	strace $0x80000047;
	[dreg:$0x7] =	wrdreg s20  }
0x5: {  	s22 =	simm.s32 $0x1100;
	[dreg:$0x8] =	wrdreg s21  }
0x6: {  	s23 =	simm.s32 $0x1500;
	[dreg:$0x9] =	wrdreg s22  }
0x7: {  	s24 =	simm.s32 $0x1D00;
	[dreg:$0xa] =	wrdreg s23  }
0x8: {  	s4 =	srdreg.scid;
	s25 =	simm.s32 $0x2500;
	[dreg:$0xb] =	wrdreg s24  }
0x9: {  	s2 =	stileid.u32;
	s26 =	simm.s32 $0x2900;
	[dreg:$0xc] =	wrdreg s25  }
0xa: {  	s5 =	sshll.u32 s2, $0x5;
	s2 =	simm.s32 $0x3100;
	[dreg:$0xd] =	wrdreg s26  }
0xb: {  	s9 =	simm.s32 $0x5100;
	s10 =	simm.s32 $0x5900;
	[dreg:$0xe] =	wrdreg s2  }
0xc: {  	s11 =	simm.s32 $0x6100;
	s12 =	simm.s32 $0x6500;
	[dreg:$0x13] =	wrdreg s9  }
0xd: {  	s13 =	simm.s32 $0x6D00;
	s14 =	simm.s32 $0x7500;
	[dreg:$0x14] =	wrdreg s10  }
0xe: {  	s16 =	simm.s32 $0x7900;
	s28 =	simm.s32 $0x12900;
	[dreg:$0x15] =	wrdreg s11  }
0xf: {  	s29 =	simm.s32 $0x12D00;
	s30 =	simm.s32 $0x13500;
	[dreg:$0x16] =	wrdreg s12  }
0x10: {  	s31 =	simm.s32 $0x13D00;
	s4 =	sand.u32 $0x1, s4;
	[dreg:$0x17] =	wrdreg s13  }
0x11: {  	s7 =	sadd.s32 $0x1000, s0;
	s0 =	sadd.s32 $0x51000, s0;
	[dreg:$0x18] =	wrdreg s14  }
0x12: {  	s6 =	sshll.u32 s4, $0x4;
	s4 =	ssub.s32 $0x2, s4;
	[dreg:$0x19] =	wrdreg s16  }
0x13: {  	s20 =	simm.s32 $0x8D00;
	s21 =	simm.s32 $0x9500;
	s22 =	simm.s32 $0x9D00  }
0x14: {  	s23 =	simm.s32 $0xA900;
	s9 =	simm.s32 $0xA100;
	[dreg:$0x1c] =	wrdreg s20  }
0x15: {  	s24 =	simm.s32 $0xB100;
	s10 =	simm.s32 $0x1;
	[dreg:$0x1d] =	wrdreg s21  }
0x16: {  	s25 =	simm.s32 $0xB500;
	s11 =	simm.s32 $0x2;
	[dreg:$0x1e] =	wrdreg s22  }
0x17: {  	s26 =	simm.s32 $0xBD00;
	s13 =	simm.s32 $0xC900;
	[dreg:$0x1f] =	wrdreg s23  }
0x18: {  	s14 =	simm.s32 $0xD100;
	s16 =	simm.s32 $0xDD00;
	[smem:$0x7FB] =	sst s24  }
0x19: {  	s5 =	sor.u32 s6, s5;
	s15 =	sshrl.u32 s4, $0x1;
	[smem:$0x7FC] =	sst s25  }
0x1a: {  	[smem:$0x7FD] =	sst s26;
	s20 =	simm.s32 $0xF900;
	s21 =	simm.s32 $0x10100  }
0x1b: {  	s22 =	simm.s32 $0x10500;
	s23 =	simm.s32 $0x10D00;
	s24 =	simm.s32 $0x11500  }
0x1c: {  	s25 =	simm.s32 $0x11900;
	s6 =	sadd.s32 s0, s5;
	s8 =	sor.u32 $0x8, s5  }
0x1d: {  	s26 =	simm.s32 $0x12100;
	[dreg:$0x3] =	wrdreg s6;
	s0 =	sadd.s32 s0, s8  }
0x1e: {  	s5 =	smul.u32 $0x280, s5;
	s6 =	simm.s32 $0x3D00;
	[dreg:$0x4] =	wrdreg s0  }
0x1f: {  	s17 =	smul.u32 $0x280, s8;
	s8 =	simm.s32 $0x4D00;
	[dreg:$0x10] =	wrdreg s6  }
0x20: {  	s18 =	sadd.s32 s7, s5;
	s5 =	simm.s32 $0x3900;
	[dreg:$0x12] =	wrdreg s8  }
0x21: {  	s8 =	simm.s32 $0x100;
	s0 =	simm.s32 $0x3;
	[dreg:$0x5] =	wrdreg s18  }
0x22: {  	s19 =	sadd.s32 s7, s17;
	[dreg:$0xf] =	wrdreg s5;
	s7 =	simm.s32 $0x4500  }
0x23: {  	s17 =	ssub.s32 s4, s15;
	s18 =	simm.s32 $0x8100;
	[dreg:$0x6] =	wrdreg s19  }
0x24: {  	s4 =	sadd.s32 $0x100, s1;
	s5 =	sadd.s32 $0x200, s1;
	[dreg:$0x11] =	wrdreg s7  }
0x25: {  	v2 =	vlaneseq.u32;
	s15 =	simm.s32 $0xD900;
	[dreg:$0x1a] =	wrdreg s18;
	s19 =	simm.s32 $0x8900  }
0x26: {  	vm0 =	vmmov $0xffff;
	vm1 =	vmmov $0xff;
	v1 =	vshrl.u32 v2, $0x3;
	s6 =	smax.u32 s17, $0x1;
	s7 =	simm.s32 $0x4;
	s17 =	simm.s32 $0xE500  }
0x27: {  	v0 =	vand.u32 $0x7, v2;
	v2 =	vor.u32 $0x8, v2;
	v1 =	vmul.u32 $0x8, v1;
	s18 =	simm.s32 $0xED00;
	[dreg:$0x1b] =	wrdreg s19;
	s19 =	simm.s32 $0xF100  }
.LBB2_1:
0x28: {  	s2 =	rddreg [dreg:$0x3]  }
0x29: {  	[tilespmem:s3], [sflag:$0x4] =	stream.linear.gather [hbm4b:s2+s3], $0x40, $0x38;
	[tilespmem:$0x14100] =	vst v63  }
0x2a: {  	_ =	swait.ge [sflag:s7], $0x40  }
0x2b: {  	s2 =	rddreg [dreg:$0x4];
	[sflag:s7] =	ssyncset.done $0x0  }
0x2c: {  	s12 =	rddreg [dreg:$0x7];
	[sflag:s7] =	ssyncadd.s32 $0xFFFFFFC0  }
0x2d: {  	[tilespmem:s12], [sflag:$0x4] =	stream.linear.gather [hbm4b:s2+s3], $0x40, $0x38;
	[tilespmem:$0x14100] =	vst v63  }
0x2e: {  	_ =	swait.ge [sflag:s7], $0x40  }
0x2f: {  	[sflag:s7] =	ssyncset.done $0x0  }
0x30: {  	s2 =	rddreg [dreg:$0x5];
	[sflag:s7] =	ssyncadd.s32 $0xFFFFFFC0  }
0x31: {  	[tilespmem:s8], [sflag:$0x1] =	stream.linear.gather [hbm4b:s2+s3], $0xA000, $0x38;
	[tilespmem:$0x14100] =	vst v63  }
0x32: {  	s12 =	rddreg [dreg:$0x6]  }
0x33: {  	[tilespmem:s9], [sflag:$0x2] =	stream.linear.gather [hbm4b:s12+s3], $0xA000, $0x38;
	[tilespmem:$0x14100] =	vst v63  }
0x34: {  	_ =	swait.ge [sflag:s10], $0xA000  }
0x35: {  	[sflag:s10] =	ssyncset.done $0x0  }
0x36: {  	[sflag:s10] =	ssyncadd.s32 $0xFFFF6000  }
0x37: {  	v3 =	vld [tilespmem:$0x0];
	_ =	sdelay $0x4  }
0x38: {  	v4 =	vshrl.u32 v3, $0x3  }
0x39: {  	v4 =	vmul.u32 $0x28, v4  }
0x3a: {  	v3 =	vand.u32 $0x7, v3  }
0x3b: {  	v3 =	vor.u32 v3, v4  }
0x3c: {  	v4 =	vperm.xlane v3, v0;
	_ =	sdelay $0x1  }
0x3d: {  	v4 =	vadd.s32 v1, v4;
	_ =	sdelay $0x3  }
0x3e: {  	v3 =	vperm.xlane v3, v2  }
0x3f: {  	[hbm4b:s1+s3] =	stream.indirect_vreg.scatter [tilespmem:s8], [sflag:$0x3], $0x80, v4, vm0, $0xb8;
	[tilespmem:$0x14100] =	vst v63  }
0x40: {  	s2 =	rddreg [dreg:$0x8];
	v3 =	vadd.s32 v1, v3  }
0x41: {  	[hbm4b:s4+s3] =	stream.indirect_vreg.scatter [tilespmem:s2], [sflag:$0x3], $0x80, v4, vm0, $0xb8;
	[tilespmem:$0x14100] =	vst v63  }
0x42: {  	s12 =	rddreg [dreg:$0x9]  }
0x43: {  	[hbm4b:s5+s3] =	stream.indirect_vreg.scatter [tilespmem:s12], [sflag:$0x3], $0x80, v4, vm1, $0xb8;
	[tilespmem:$0x14100] =	vst v63  }
0x44: {  	s2 =	rddreg [dreg:$0xa]  }
0x45: {  	[hbm4b:s1+s3] =	stream.indirect_vreg.scatter [tilespmem:s2], [sflag:$0x3], $0x80, v3, vm0, $0xb8;
	[tilespmem:$0x14100] =	vst v63  }
0x46: {  	s12 =	rddreg [dreg:$0xb]  }
0x47: {  	[hbm4b:s4+s3] =	stream.indirect_vreg.scatter [tilespmem:s12], [sflag:$0x3], $0x80, v3, vm0, $0xb8;
	[tilespmem:$0x14100] =	vst v63  }
0x48: {  	s2 =	rddreg [dreg:$0xc]  }
0x49: {  	[hbm4b:s5+s3] =	stream.indirect_vreg.scatter [tilespmem:s2], [sflag:$0x3], $0x80, v3, vm1, $0xb8;
	[tilespmem:$0x14100] =	vst v63  }
0x4a: {  	v3 =	vld [tilespmem:$0x10];
	_ =	sdelay $0x4  }
0x4b: {  	v57 =	vshrl.u32 v3, $0x3  }
0x4c: {  	v4 =	vmul.u32 $0x28, v57  }
0x4d: {  	v3 =	vand.u32 $0x7, v3  }
0x4e: {  	v3 =	vor.u32 v3, v4  }
0x4f: {  	v4 =	vperm.xlane v3, v0;
	_ =	sdelay $0x1  }
0x50: {  	v4 =	vadd.s32 v1, v4;
	_ =	sdelay $0x3  }
0x51: {  	s2 =	rddreg [dreg:$0xd];
	v3 =	vperm.xlane v3, v2  }
0x52: {  	[hbm4b:s1+s3] =	stream.indirect_vreg.scatter [tilespmem:s2], [sflag:$0x3], $0x80, v4, vm0, $0xb8;
	[tilespmem:$0x14100] =	vst v63  }
0x53: {  	s12 =	rddreg [dreg:$0xe];
	v3 =	vadd.s32 v1, v3  }
0x54: {  	[hbm4b:s4+s3] =	stream.indirect_vreg.scatter [tilespmem:s12], [sflag:$0x3], $0x80, v4, vm0, $0xb8;
	[tilespmem:$0x14100] =	vst v63  }
0x55: {  	s2 =	rddreg [dreg:$0xf]  }
0x56: {  	[hbm4b:s5+s3] =	stream.indirect_vreg.scatter [tilespmem:s2], [sflag:$0x3], $0x80, v4, vm1, $0xb8;
	[tilespmem:$0x14100] =	vst v63  }
0x57: {  	s12 =	rddreg [dreg:$0x10]  }
0x58: {  	[hbm4b:s1+s3] =	stream.indirect_vreg.scatter [tilespmem:s12], [sflag:$0x3], $0x80, v3, vm0, $0xb8;
	[tilespmem:$0x14100] =	vst v63  }
0x59: {  	s2 =	rddreg [dreg:$0x11]  }
0x5a: {  	[hbm4b:s4+s3] =	stream.indirect_vreg.scatter [tilespmem:s2], [sflag:$0x3], $0x80, v3, vm0, $0xb8;
	[tilespmem:$0x14100] =	vst v63  }
0x5b: {  	s12 =	rddreg [dreg:$0x12]  }
0x5c: {  	[hbm4b:s5+s3] =	stream.indirect_vreg.scatter [tilespmem:s12], [sflag:$0x3], $0x80, v3, vm1, $0xb8;
	[tilespmem:$0x14100] =	vst v63  }
0x5d: {  	v3 =	vld [tilespmem:$0x20];
	_ =	sdelay $0x4  }
0x5e: {  	v58 =	vshrl.u32 v3, $0x3  }
0x5f: {  	v4 =	vmul.u32 $0x28, v58  }
0x60: {  	v3 =	vand.u32 $0x7, v3  }
0x61: {  	v3 =	vor.u32 v3, v4  }
0x62: {  	v4 =	vperm.xlane v3, v0;
	_ =	sdelay $0x1  }
0x63: {  	v4 =	vadd.s32 v1, v4;
	_ =	sdelay $0x3  }
0x64: {  	s2 =	rddreg [dreg:$0x13];
	v3 =	vperm.xlane v3, v2  }
0x65: {  	[hbm4b:s1+s3] =	stream.indirect_vreg.scatter [tilespmem:s2], [sflag:$0x3], $0x80, v4, vm0, $0xb8;
	[tilespmem:$0x14100] =	vst v63  }
0x66: {  	s12 =	rddreg [dreg:$0x14];
	v3 =	vadd.s32 v1, v3  }
0x67: {  	[hbm4b:s4+s3] =	stream.indirect_vreg.scatter [tilespmem:s12], [sflag:$0x3], $0x80, v4, vm0, $0xb8;
	[tilespmem:$0x14100] =	vst v63  }
0x68: {  	s2 =	rddreg [dreg:$0x15]  }
0x69: {  	[hbm4b:s5+s3] =	stream.indirect_vreg.scatter [tilespmem:s2], [sflag:$0x3], $0x80, v4, vm1, $0xb8;
	[tilespmem:$0x14100] =	vst v63  }
0x6a: {  	s12 =	rddreg [dreg:$0x16]  }
0x6b: {  	[hbm4b:s1+s3] =	stream.indirect_vreg.scatter [tilespmem:s12], [sflag:$0x3], $0x80, v3, vm0, $0xb8;
	[tilespmem:$0x14100] =	vst v63  }
0x6c: {  	s2 =	rddreg [dreg:$0x17]  }
0x6d: {  	[hbm4b:s4+s3] =	stream.indirect_vreg.scatter [tilespmem:s2], [sflag:$0x3], $0x80, v3, vm0, $0xb8;
	[tilespmem:$0x14100] =	vst v63  }
0x6e: {  	s12 =	rddreg [dreg:$0x18]  }
0x6f: {  	[hbm4b:s5+s3] =	stream.indirect_vreg.scatter [tilespmem:s12], [sflag:$0x3], $0x80, v3, vm1, $0xb8;
	[tilespmem:$0x14100] =	vst v63  }
0x70: {  	v3 =	vld [tilespmem:$0x30];
	_ =	sdelay $0x4  }
0x71: {  	v59 =	vshrl.u32 v3, $0x3  }
0x72: {  	v4 =	vmul.u32 $0x28, v59  }
0x73: {  	v3 =	vand.u32 $0x7, v3  }
0x74: {  	v3 =	vor.u32 v3, v4  }
0x75: {  	v4 =	vperm.xlane v3, v0;
	_ =	sdelay $0x1  }
0x76: {  	v4 =	vadd.s32 v1, v4;
	_ =	sdelay $0x3  }
0x77: {  	s2 =	rddreg [dreg:$0x19];
	v3 =	vperm.xlane v3, v2  }
0x78: {  	[hbm4b:s1+s3] =	stream.indirect_vreg.scatter [tilespmem:s2], [sflag:$0x3], $0x80, v4, vm0, $0xb8;
	[tilespmem:$0x14100] =	vst v63  }
0x79: {  	s12 =	rddreg [dreg:$0x1a];
	v3 =	vadd.s32 v1, v3  }
0x7a: {  	[hbm4b:s4+s3] =	stream.indirect_vreg.scatter [tilespmem:s12], [sflag:$0x3], $0x80, v4, vm0, $0xb8;
	[tilespmem:$0x14100] =	vst v63  }
0x7b: {  	s2 =	rddreg [dreg:$0x1b]  }
0x7c: {  	[hbm4b:s5+s3] =	stream.indirect_vreg.scatter [tilespmem:s2], [sflag:$0x3], $0x80, v4, vm1, $0xb8;
	[tilespmem:$0x14100] =	vst v63  }
0x7d: {  	s12 =	rddreg [dreg:$0x1c]  }
0x7e: {  	[hbm4b:s1+s3] =	stream.indirect_vreg.scatter [tilespmem:s12], [sflag:$0x3], $0x80, v3, vm0, $0xb8;
	[tilespmem:$0x14100] =	vst v63  }
0x7f: {  	s2 =	rddreg [dreg:$0x1d]  }
0x80: {  	[hbm4b:s4+s3] =	stream.indirect_vreg.scatter [tilespmem:s2], [sflag:$0x3], $0x80, v3, vm0, $0xb8;
	[tilespmem:$0x14100] =	vst v63  }
0x81: {  	s12 =	rddreg [dreg:$0x1e]  }
0x82: {  	[hbm4b:s5+s3] =	stream.indirect_vreg.scatter [tilespmem:s12], [sflag:$0x3], $0x80, v3, vm1, $0xb8;
	[tilespmem:$0x14100] =	vst v63  }
0x83: {  	_ =	swait.ge [sflag:s11], $0xA000  }
0x84: {  	[sflag:s11] =	ssyncset.done $0x0  }
0x85: {  	[sflag:s11] =	ssyncadd.s32 $0xFFFF6000  }
0x86: {  	v3 =	vld [tilespmem:$0x80];
	_ =	sdelay $0x4  }
0x87: {  	v60 =	vshrl.u32 v3, $0x3  }
0x88: {  	v4 =	vmul.u32 $0x28, v60  }
0x89: {  	v3 =	vand.u32 $0x7, v3  }
0x8a: {  	v3 =	vor.u32 v3, v4  }
0x8b: {  	v4 =	vperm.xlane v3, v0;
	_ =	sdelay $0x1  }
0x8c: {  	v4 =	vadd.s32 v1, v4;
	_ =	sdelay $0x3  }
0x8d: {  	s2 =	rddreg [dreg:$0x1f];
	v3 =	vperm.xlane v3, v2  }
0x8e: {  	[hbm4b:s1+s3] =	stream.indirect_vreg.scatter [tilespmem:s9], [sflag:$0x3], $0x80, v4, vm0, $0xb8;
	[tilespmem:$0x14100] =	vst v63  }
0x8f: {  	s12 =	sld [smem:$0x7FB];
	v3 =	vadd.s32 v1, v3  }
0x90: {  	[hbm4b:s4+s3] =	stream.indirect_vreg.scatter [tilespmem:s2], [sflag:$0x3], $0x80, v4, vm0, $0xb8;
	[tilespmem:$0x14100] =	vst v63  }
0x91: {  	s2 =	sld [smem:$0x7FC]  }
0x92: {  	[hbm4b:s5+s3] =	stream.indirect_vreg.scatter [tilespmem:s12], [sflag:$0x3], $0x80, v4, vm1, $0xb8;
	[tilespmem:$0x14100] =	vst v63  }
0x93: {  	s12 =	sld [smem:$0x7FD]  }
0x94: {  	[hbm4b:s1+s3] =	stream.indirect_vreg.scatter [tilespmem:s2], [sflag:$0x3], $0x80, v3, vm0, $0xb8;
	[tilespmem:$0x14100] =	vst v63  }
0x95: {  	_ = 	snop  }
0x96: {  	[hbm4b:s4+s3] =	stream.indirect_vreg.scatter [tilespmem:s12], [sflag:$0x3], $0x80, v3, vm0, $0xb8;
	[tilespmem:$0x14100] =	vst v63  }
0x97: {  	s12 =	simm.s32 $0xC500  }
0x98: {  	[hbm4b:s5+s3] =	stream.indirect_vreg.scatter [tilespmem:s12], [sflag:$0x3], $0x80, v3, vm1, $0xb8;
	[tilespmem:$0x14100] =	vst v63  }
0x99: {  	v3 =	vld [tilespmem:$0x90];
	_ =	sdelay $0x4  }
0x9a: {  	v61 =	vshrl.u32 v3, $0x3  }
0x9b: {  	v4 =	vmul.u32 $0x28, v61  }
0x9c: {  	v3 =	vand.u32 $0x7, v3  }
0x9d: {  	v3 =	vor.u32 v3, v4  }
0x9e: {  	v4 =	vperm.xlane v3, v0;
	_ =	sdelay $0x1  }
0x9f: {  	v4 =	vadd.s32 v1, v4;
	_ =	sdelay $0x3  }
0xa0: {  	v3 =	vperm.xlane v3, v2  }
0xa1: {  	[hbm4b:s1+s3] =	stream.indirect_vreg.scatter [tilespmem:s13], [sflag:$0x3], $0x80, v4, vm0, $0xb8;
	[tilespmem:$0x14100] =	vst v63  }
0xa2: {  	v3 =	vadd.s32 v1, v3  }
0xa3: {  	[hbm4b:s4+s3] =	stream.indirect_vreg.scatter [tilespmem:s14], [sflag:$0x3], $0x80, v4, vm0, $0xb8;
	[tilespmem:$0x14100] =	vst v63  }
0xa4: {  	_ = 	snop  }
0xa5: {  	[hbm4b:s5+s3] =	stream.indirect_vreg.scatter [tilespmem:s15], [sflag:$0x3], $0x80, v4, vm1, $0xb8;
	[tilespmem:$0x14100] =	vst v63  }
0xa6: {  	_ = 	snop  }
0xa7: {  	[hbm4b:s1+s3] =	stream.indirect_vreg.scatter [tilespmem:s16], [sflag:$0x3], $0x80, v3, vm0, $0xb8;
	[tilespmem:$0x14100] =	vst v63  }
0xa8: {  	_ = 	snop  }
0xa9: {  	[hbm4b:s4+s3] =	stream.indirect_vreg.scatter [tilespmem:s17], [sflag:$0x3], $0x80, v3, vm0, $0xb8;
	[tilespmem:$0x14100] =	vst v63  }
0xaa: {  	_ = 	snop  }
0xab: {  	[hbm4b:s5+s3] =	stream.indirect_vreg.scatter [tilespmem:s18], [sflag:$0x3], $0x80, v3, vm1, $0xb8;
	[tilespmem:$0x14100] =	vst v63  }
0xac: {  	v3 =	vld [tilespmem:$0xA0];
	_ =	sdelay $0x4  }
0xad: {  	v62 =	vshrl.u32 v3, $0x3  }
0xae: {  	v4 =	vmul.u32 $0x28, v62  }
0xaf: {  	v3 =	vand.u32 $0x7, v3  }
0xb0: {  	v3 =	vor.u32 v3, v4  }
0xb1: {  	v4 =	vperm.xlane v3, v0;
	_ =	sdelay $0x1  }
0xb2: {  	v4 =	vadd.s32 v1, v4;
	_ =	sdelay $0x3  }
0xb3: {  	v3 =	vperm.xlane v3, v2  }
0xb4: {  	[hbm4b:s1+s3] =	stream.indirect_vreg.scatter [tilespmem:s19], [sflag:$0x3], $0x80, v4, vm0, $0xb8;
	[tilespmem:$0x14100] =	vst v63  }
0xb5: {  	v3 =	vadd.s32 v1, v3  }
0xb6: {  	[hbm4b:s4+s3] =	stream.indirect_vreg.scatter [tilespmem:s20], [sflag:$0x3], $0x80, v4, vm0, $0xb8;
	[tilespmem:$0x14100] =	vst v63  }
0xb7: {  	_ = 	snop  }
0xb8: {  	[hbm4b:s5+s3] =	stream.indirect_vreg.scatter [tilespmem:s21], [sflag:$0x3], $0x80, v4, vm1, $0xb8;
	[tilespmem:$0x14100] =	vst v63  }
0xb9: {  	_ = 	snop  }
0xba: {  	[hbm4b:s1+s3] =	stream.indirect_vreg.scatter [tilespmem:s22], [sflag:$0x3], $0x80, v3, vm0, $0xb8;
	[tilespmem:$0x14100] =	vst v63  }
0xbb: {  	_ = 	snop  }
0xbc: {  	[hbm4b:s4+s3] =	stream.indirect_vreg.scatter [tilespmem:s23], [sflag:$0x3], $0x80, v3, vm0, $0xb8;
	[tilespmem:$0x14100] =	vst v63  }
0xbd: {  	_ = 	snop  }
0xbe: {  	[hbm4b:s5+s3] =	stream.indirect_vreg.scatter [tilespmem:s24], [sflag:$0x3], $0x80, v3, vm1, $0xb8;
	[tilespmem:$0x14100] =	vst v63  }
0xbf: {  	v3 =	vld [tilespmem:$0xB0];
	_ =	sdelay $0x4  }
0xc0: {  	v63 =	vshrl.u32 v3, $0x3  }
0xc1: {  	v4 =	vmul.u32 $0x28, v63  }
0xc2: {  	v3 =	vand.u32 $0x7, v3  }
0xc3: {  	v3 =	vor.u32 v3, v4  }
0xc4: {  	v4 =	vperm.xlane v3, v0;
	_ =	sdelay $0x1  }
0xc5: {  	v4 =	vadd.s32 v1, v4;
	_ =	sdelay $0x3  }
0xc6: {  	v3 =	vperm.xlane v3, v2  }
0xc7: {  	[hbm4b:s1+s3] =	stream.indirect_vreg.scatter [tilespmem:s25], [sflag:$0x3], $0x80, v4, vm0, $0xb8;
	[tilespmem:$0x14100] =	vst v63  }
0xc8: {  	v3 =	vadd.s32 v1, v3  }
0xc9: {  	[hbm4b:s4+s3] =	stream.indirect_vreg.scatter [tilespmem:s26], [sflag:$0x3], $0x80, v4, vm0, $0xb8;
	[tilespmem:$0x14100] =	vst v63  }
0xca: {  	_ = 	snop  }
0xcb: {  	[hbm4b:s5+s3] =	stream.indirect_vreg.scatter [tilespmem:s28], [sflag:$0x3], $0x80, v4, vm1, $0xb8;
	[tilespmem:$0x14100] =	vst v63  }
0xcc: {  	_ = 	snop  }
0xcd: {  	[hbm4b:s1+s3] =	stream.indirect_vreg.scatter [tilespmem:s29], [sflag:$0x3], $0x80, v3, vm0, $0xb8;
	[tilespmem:$0x14100] =	vst v63  }
0xce: {  	_ = 	snop  }
0xcf: {  	[hbm4b:s4+s3] =	stream.indirect_vreg.scatter [tilespmem:s30], [sflag:$0x3], $0x80, v3, vm0, $0xb8;
	[tilespmem:$0x14100] =	vst v63  }
0xd0: {  	_ = 	snop  }
0xd1: {  	[hbm4b:s5+s3] =	stream.indirect_vreg.scatter [tilespmem:s31], [sflag:$0x3], $0x80, v3, vm1, $0xb8;
	[tilespmem:$0x14100] =	vst v63  }
0xd2: {  	p0 =	sne.s32 s6, $0x1;
	_ =	swait.ge [sflag:s0], $0xA000  }
.Ltmp0:
0xd3: {  	[sflag:s0] =	ssyncset.done $0x0;
	(pc) =	sbr.rel @p0 .LBB2_1-.Ltmp0, $4  }
0xd4: {  	[sflag:s0] =	ssyncadd.s32 $0xFFFF6000  }
0xd5: {  	_ =	swait.ge [sflag:s0], $0xA000  }
0xd6: {  	[sflag:s0] =	ssyncset.done $0x0  }
0xd7: {  	s6 =	sadd.s32 $0xFFFFFFFF, s6;
	[sflag:s0] =	ssyncadd.s32 $0xFFFF6000  }
0xd8: {  	_ =	sfence.sel $0x180000  }
0xd9: {  	[bflag:$0x0] =	sbarrier.arrive $0xFFFF  }
0xda: {  	_ =	strace $0x90000047  }
0xdb: {  	s0 =	stileid.u32;
	[bflag:$0x2] =	sbarrier.arrive $0xFFFF  }
0xdc: {  	p0 =	sne.s32 s0, $0x0;
	s0 =	rddreg [dreg:$0x2]  }
0xdd: {  	s0 =	sadd.s32 @!p0 $0x100000, s0  }
0xde: {  	[sflag:s0] =	ssyncadd.tile.s32 @!p0 $0x1;
	_ =	shalt  }
.Lfunc_end2:
_tile_overlayer_lowered:
.L_overlay_start_2:
0xdf: {  	(tag) =	ssettag $0x2  }
0xe0: {  	s0 =	rddreg [dreg:$0x0];
	s2 =	stileid.u32  }
0xe1: {  	s1 =	rddreg [dreg:$0x1];
	p0 =	sne.s32 s2, $0x0  }
0xe2: {  	s3 =	rddreg [dreg:$0x2];
	[bflag:$0x3] =	sbarrier.arrive $0xFFFF;
	s2 =	simm.s32 @!p0 $0x1C04  }
0xe3: {  	[timem:s3], [sflag:s2] =	dma.local @!p0 [hbm:s0], s1  }
0xe4: {  	s0 =	simm.s32 @!p0 $0x4  }
0xe5: {  	_ =	swait.ge @!p0 [sflag:s0], s1  }
0xe6: {  	s1 =	ssub.s32 @!p0 $0x0, s1;
	[sflag:s0] =	ssyncset.done @!p0 $0x0  }
0xe7: {  	[sflag:s0] =	ssyncadd.s32 @!p0 s1  }
0xe8: {  	[bflag:$0x3] =	sbarrier.arrive $0xFFFF  }
0xe9: {  	_ =	shalt  }

// kernel: kernel.9.cloned.1.call-start
scs
__scs_entry_jumppad:
0x0: {  	(pc) =	sbr.rel $0x88, $3  }
0x1: {  	(tag) =	ssettag $0x0;
	lr =	simm.s32 $0x1  }
0x2: {  	[smem:$0x3F99] =	sst lr;
	_ =	strace $0xD0000000  }
0x3: {  	_ = 	snop  }
0x4: {  	_ = 	snop  }
0x5: {  	_ = 	snop  }
0x6: {  	_ = 	snop  }
0x7: {  	_ = 	snop  }
__scs_overlays_trampoline_lowered:
0x8: {  	[smem:$0x3FA8] =	sst s0  }
0x9: {  	[smem:$0x3FA9] =	sst s1  }
0xa: {  	[smem:$0x3FAA] =	sst s2  }
0xb: {  	[smem:$0x3FAB] =	sst s3  }
0xc: {  	[smem:$0x3FAC] =	sst s4  }
0xd: {  	[smem:$0x3FAD] =	sst s5  }
0xe: {  	[smem:$0x3FAE] =	sst s6  }
0xf: {  	[smem:$0x3FAF] =	sst s7  }
0x10: {  	[smem:$0x3FB0] =	sst s8  }
0x11: {  	[smem:$0x3FB1] =	sst s9;
	s0 =	simm.s32 @!p0 $0x0  }
0x12: {  	s1 =	sld [smem:$0x3F97];
	s0 =	simm.s32 @p0 $0x1  }
0x13: {  	[smem:$0x3FB2] =	sst s0;
	s0 =	simm.s32 @!p1 $0x0  }
0x14: {  	s2 =	sld [smem:$0x3F96];
	s0 =	simm.s32 @p1 $0x1  }
0x15: {  	[smem:$0x3FB3] =	sst s0;
	s0 =	simm.s32 @!p2 $0x0  }
0x16: {  	s3 =	sld [smem:$0x3FDB];
	s0 =	simm.s32 @p2 $0x1  }
0x17: {  	s4 =	simm.s32 $0x1BF5;
	[smem:$0x3FB5] =	sst s0  }
0x18: {  	s0 =	sld [smem:$0x3F98];
	_ =	swait.ge [sflag:s4], $0x0  }
0x19: {  	s7 =	sld [smem:$0x3F99]  }
0x1a: {  	s8 =	sadd.s32 $0xFFFFE003, lr  }
0x1b: {  	s9 =	sadd.s32 $0xFFFFFEF7, lr;
	s5 =	simm.s32 $0xFFFFFFFF;
	p2 =	slt.u32 s8, $0xFFFFF086  }
0x1c: {  	p1 =	slt.u32 s9, $0xF7A;
	s5 =	simm.s32 @!p2 $0x0  }
0x1d: {  	s5 =	simm.s32 @p1 $0x1;
	p0 =	seq.s32 s7, s2  }
0x1e: {  	s7 =	smul.u32 @!p0 $0xF7A, s2;
	p2 =	seq.s32 @!p0 s5, $0x0  }
0x1f: {  	s9 =	smul.u32 $0xF7A, s1;
	s8 =	simm.s32 @!p0 $0x1BF5;
	p2 =	por !p2, p0  }
0x20: {  	[sflag:s8] =	ssyncset.s32 @!p0 $0xFFFFF086;
	s6 =	sadd.s32 @!p0 s3, s7;
	s7 =	simm.s32 @!p0 $0x108  }
0x21: {  	s3 =	sadd.s32 s3, s9;
	s6 =	sadd.s32 @!p0 $0x88, s6;
	s7 =	simm.s32 @p2 $0x1082  }
0x22: {  	[simem:s7], [sflag:s8] =	dma.local @!p0 [hbm:s6], $0xF7A  }
0x23: {  	s9 =	sor.u32 $0xD0000000, s2;
	s6 =	simm.s32 $0x108;
	_ =	swait.ge @!p0 [sflag:s8], $0x0  }
0x24: {  	s3 =	sadd.s32 $0x88, s3;
	s6 =	simm.s32 @!p1 $0x1082;
	[sflag:s4] =	ssyncset.s32 $0xFFFFF086  }
0x25: {  	[simem:s6], [sflag:s4] =	dma.local [hbm:s3], $0xF7A  }
0x26: {  	[smem:$0x3F99] =	sst s1;
	(tag) =	ssettag s2;
	_ =	strace s9  }
0x27: {  	s1 =	sld [smem:$0x3FA9]  }
0x28: {  	s2 =	sld [smem:$0x3FAA]  }
0x29: {  	s4 =	sld [smem:$0x3FAC]  }
0x2a: {  	p0 =	seq.s32 s5, $0x0;
	s5 =	sld [smem:$0x3FAD]  }
0x2b: {  	s6 =	sld [smem:$0x3FAE]  }
0x2c: {  	s7 =	sld [smem:$0x3FAF]  }
0x2d: {  	s3 =	simm.s32 $0x108;
	s8 =	sld [smem:$0x3FB0]  }
0x2e: {  	s3 =	simm.s32 @!p0 $0x1082;
	s9 =	sld [smem:$0x3FB1]  }
0x2f: {  	lr =	sadd.s32 s0, s3;
	s0 =	sld [smem:$0x3FA8]  }
0x30: {  	s3 =	sld [smem:$0x3FAB]  }
0x31: {  	[smem:$0x3FB4] =	sst s10  }
0x32: {  	s10 =	sld [smem:$0x3FB2];
	_ =	sdelay $0x3  }
0x33: {  	p0 =	seq.s32 s10, $0x1;
	s10 =	sld [smem:$0x3FB4];
	_ =	sdelay $0x3  }
0x34: {  	[smem:$0x3FB4] =	sst s10  }
0x35: {  	s10 =	sld [smem:$0x3FB3];
	_ =	sdelay $0x3  }
0x36: {  	p1 =	seq.s32 s10, $0x1;
	s10 =	sld [smem:$0x3FB4];
	_ =	sdelay $0x3  }
0x37: {  	[smem:$0x3FB4] =	sst s10  }
0x38: {  	s10 =	sld [smem:$0x3FB5]  }
0x39: {  	_ = 	snop;
	(pc) =	sbr.ind lr, $3  }
0x3a: {  	_ = 	snop  }
0x3b: {  	_ = 	snop  }
0x3c: {  	p2 =	seq.s32 s10, $0x1;
	s10 =	sld [smem:$0x3FB4]  }
0x3d: {  	_ =	shalt  }
0x3e: {  	_ =	shalt  }
0x3f: {  	_ =	shalt  }
0x40: {  	_ =	shalt  }
0x41: {  	_ =	shalt  }
0x42: {  	_ =	shalt  }
0x43: {  	_ =	shalt  }
0x44: {  	_ =	shalt  }
0x45: {  	_ =	shalt  }
0x46: {  	_ =	shalt  }
0x47: {  	_ =	shalt  }
0x48: {  	_ =	shalt  }
0x49: {  	_ =	shalt  }
0x4a: {  	_ =	shalt  }
0x4b: {  	_ =	shalt  }
0x4c: {  	_ =	shalt  }
0x4d: {  	_ =	shalt  }
0x4e: {  	_ =	shalt  }
0x4f: {  	_ =	shalt  }
0x50: {  	_ =	shalt  }
0x51: {  	_ =	shalt  }
0x52: {  	_ =	shalt  }
0x53: {  	_ =	shalt  }
0x54: {  	_ =	shalt  }
0x55: {  	_ =	shalt  }
0x56: {  	_ =	shalt  }
0x57: {  	_ =	shalt  }
0x58: {  	_ =	shalt  }
0x59: {  	_ =	shalt  }
0x5a: {  	_ =	shalt  }
0x5b: {  	_ =	shalt  }
0x5c: {  	_ =	shalt  }
0x5d: {  	_ =	shalt  }
0x5e: {  	_ =	shalt  }
0x5f: {  	_ =	shalt  }
0x60: {  	_ =	shalt  }
0x61: {  	_ =	shalt  }
0x62: {  	_ =	shalt  }
0x63: {  	_ =	shalt  }
0x64: {  	_ =	shalt  }
0x65: {  	_ =	shalt  }
0x66: {  	_ =	shalt  }
0x67: {  	_ =	shalt  }
0x68: {  	_ =	shalt  }
0x69: {  	_ =	shalt  }
0x6a: {  	_ =	shalt  }
0x6b: {  	_ =	shalt  }
0x6c: {  	_ =	shalt  }
0x6d: {  	_ =	shalt  }
0x6e: {  	_ =	shalt  }
0x6f: {  	_ =	shalt  }
0x70: {  	_ =	shalt  }
0x71: {  	_ =	shalt  }
0x72: {  	_ =	shalt  }
0x73: {  	_ =	shalt  }
0x74: {  	_ =	shalt  }
0x75: {  	_ =	shalt  }
0x76: {  	_ =	shalt  }
0x77: {  	_ =	shalt  }
0x78: {  	_ =	shalt  }
0x79: {  	_ =	shalt  }
0x7a: {  	_ =	shalt  }
0x7b: {  	_ =	shalt  }
0x7c: {  	_ =	shalt  }
0x7d: {  	_ =	shalt  }
0x7e: {  	_ =	shalt  }
0x7f: {  	_ =	shalt  }
0x80: {  	_ =	shalt  }
0x81: {  	_ =	shalt  }
0x82: {  	_ =	shalt  }
0x83: {  	_ =	shalt  }
0x84: {  	_ =	shalt  }
0x85: {  	_ =	shalt  }
0x86: {  	_ =	shalt  }
0x87: {  	_ =	shalt  }
.Lfunc_end0:
.L_simem_size_0:
called_computation.1_lowered:
.L_overlay_start_0:
0x88: {  	s2 =	sld [smem:$0x3FD9]  }
0x89: {  	s3 =	sld [smem:$0x3FFE];
	_ =	sdelay $0x1  }
0x8a: {  	s1 =	srdreg.scid  }
0x8b: {  	s0 =	sand.u32 $0x1, s1  }
0x8c: {  	s17 =	sshll.u32 s0, $0xA;
	s2 =	sadd.s32 s3, s2  }
0x8d: {  	s2 =	sadd.s32 s2, s17  }
0x8e: {  	[smem:$0x3FC0] =	sst s2  }
0x8f: {  	_ = 	snop  }
0x90: {  	s2 =	sld [smem:$0x3FD0];
	(tm) =	ssettm $0x1  }
0x91: {  	s18 =	sld [smem:$0x3FFB];
	_ =	sdelay $0x3  }
0x92: {  	_ =	strace s18  }
0x93: {  	s3 =	sld [smem:$0x3FFC];
	_ =	sdelay $0x3  }
0x94: {  	_ =	strace s3  }
0x95: {  	s3 =	sld [smem:$0x3FFD];
	_ =	sdelay $0x3  }
0x96: {  	_ =	strace s3  }
0x97: {  	_ =	strace $0x8FFFFFFF  }
0x98: {  	s19 =	sld [smem:$0x3FDB];
	_ =	sdelay $0x1  }
0x99: {  	s4 =	simm.s32 $_scs_section_size  }
0x9a: {  	s5 =	simm.s32 $_size__tile_overlayer_lowered;
	s6 =	simm.s32 $_tile_overlayer_lowered  }
0x9b: {  	s22 =	simm.s32 $0x1BFF;
	s21 =	sshll.u32 s6, $0x1;
	s3 =	sadd.s32 s4, s19  }
0x9c: {  	s7 =	simm.s32 $0x0;
	s20 =	sshll.u32 s5, $0x1;
	s5 =	sadd.s32 s21, s3  }
0x9d: {  	[timem:s7], [sflag:s22] =	dma.local [hbm:s5], s20  }
0x9e: {  	_ =	swait.ge [sflag:s22], s20  }
0x9f: {  	s4 =	ssub.s32 $0x0, s20;
	[sflag:s22] =	ssyncset.done $0x0  }
0xa0: {  	[sflag:s22] =	ssyncadd.s32 s4;
	_ =	sdelay $0x1  }
0xa1: {  	s23 =	simm.s32 $0x1B8B  }
0xa2: {  	_ =	swait.ge [sflag:s23], $0x1  }
0xa3: {  	[sflag:s23] =	ssyncset.done $0x0  }
0xa4: {  	s25 =	simm.s32 $0x1B8E;
	s24 =	sld [smem:$0x3FFE];
	[sflag:s23] =	ssyncadd.s32 $0xFFFFFFFF  }
0xa5: {  	s26 =	simm.s32 $execute0_lowered;
	[smem:$0x3FD2] =	sst s25  }
0xa6: {  	s5 =	sshll.u32 s26, $0x1;
	_ =	strace $0x80000049;
	[dreg:$0x1] =	wrdreg $0xFFFFFFFF  }
0xa7: {  	s28 =	simm.s32 $_size_execute0_lowered;
	s3 =	sadd.s32 s3, s5;
	[dreg:$0x0] =	wrdreg $0x0  }
0xa8: {  	s5 =	sshll.u32 s28, $0x1;
	[dreg:$0x2] =	wrdreg s3  }
0xa9: {  	[dreg:$0x3] =	wrdreg s5  }
0xaa: {  	[dreg:$0x4] =	wrdreg $0xC0  }
0xab: {  	_ =	task [dreg:s7], $0x5FFFF  }
0xac: {  	[dreg:$0x1] =	wrdreg $0xFFFFFFFF  }
0xad: {  	[dreg:$0x0] =	wrdreg $0x60  }
0xae: {  	[dreg:$0x2] =	wrdreg s24  }
0xaf: {  	[dreg:$0x3] =	wrdreg s2  }
0xb0: {  	[dreg:$0x4] =	wrdreg $0x9  }
0xb1: {  	_ =	task.clear_ibuf [dreg:s7], $0x5FFFF;
	_ =	strace $0x90000049  }
0xb2: {  	s29 =	simm.s32 $0x9;
	_ =	strace $0x8000004B  }
0xb3: {  	_ =	swait.ge [sflag:s29], $0x1  }
0xb4: {  	[sflag:s29] =	ssyncadd.s32 $0xFFFFFFFF  }
0xb5: {  	_ =	strace $0x9000004B  }
0xb6: {  	_ =	sfence  }
0xb7: {  	s30 =	sld [smem:$0x0];
	_ =	sdelay $0x2  }
0xb8: {  	s31 =	sshll.u32 s1, $0xD;
	s1 =	sshrl.u32 s1, $0x2  }
0xb9: {  	s3 =	sand.u32 $0x4000, s31;
	s1 =	sadd.s32 s1, s30  }
0xba: {  	s0 =	sor.u32 s3, s0;
	s1 =	sshll.u32 s1, $0x11  }
0xbb: {  	s0 =	sor.u32 s1, s0  }
0xbc: {  	s0 =	sadd.s32 $0x8F2B, s0  }
0xbd: {  	[sflag:s0] =	ssyncadd.remote.s32 $0x1  }
0xbe: {  	_ =	sfence.sel $0xFFFF  }
0xbf: {  	[dreg:$0x0] =	wrdreg $0xFFFFFFFF;
	(pc) =	sbr.abs _section_cstart, $3  }
0xc0: {  	[dreg:$0x1] =	wrdreg $0xFFFFFFFF  }
0xc1: {  	_ =	task.clear_ibuf [dreg:s7], $0x2FFFF;
	_ =	strace $0x9FFFFFFF  }
0xc2: {  	(tm) =	ssettm $0x7FFFFFFF  }
0xc3: {  	_ =	shalt  }
tec
execute0_lowered:
.L_overlay_start_1:
0x0: {  	(tag) =	ssettag $0x1  }
0x1: {  	s0 =	rddreg [dreg:$0x0]  }
0x2: {  	s1 =	rddreg [dreg:$0x1]  }
0x3: {  	s2 =	srdreg.scid;
	s3 =	stileid.u32;
	s20 =	simm.s32 $0x2  }
0x4: {  	s28 =	simm.s32 $0x80;
	s22 =	simm.s32 $0x880;
	s23 =	simm.s32 $0x1080  }
0x5: {  	s29 =	simm.s32 $0x2880;
	s30 =	simm.s32 $0x3080;
	s31 =	simm.s32 $0x3880  }
0x6: {  	s11 =	simm.s32 $0x5080;
	s12 =	simm.s32 $0x5880;
	s13 =	simm.s32 $0x6080  }
0x7: {  	s14 =	simm.s32 $0x6880;
	s15 =	simm.s32 $0x7080;
	s16 =	simm.s32 $0x7880  }
0x8: {  	s17 =	simm.s32 $0x8880;
	s18 =	simm.s32 $0x9080;
	s19 =	simm.s32 $0x9880  }
0x9: {  	s10 =	simm.s32 $0xB080;
	s4 =	sand.u32 $0x1, s2;
	s2 =	simm.s32 $0x0  }
0xa: {  	s3 =	sshll.u32 s3, $0x8;
	s5 =	sshll.u32 s4, $0x7;
	[smem:$0x7FF] =	sst s2  }
0xb: {  	s4 =	ssub.s32 $0x2, s4;
	s5 =	sor.u32 s5, s3;
	_ =	strace $0x8000004A  }
0xc: {  	s3 =	sadd.s32 $0x51200, s0;
	s6 =	sshrl.u32 s5, $0x3;
	s5 =	sshll.u32 s5, $0x7  }
0xd: {  	s24 =	sshrl.u32 s4, $0x1;
	s6 =	sadd.s32 s6, s0;
	s7 =	sadd.s32 s1, s5  }
0xe: {  	s1 =	ssub.s32 s4, s24;
	s24 =	simm.s32 $0x1880;
	s4 =	simm.s32 $0x4080  }
0xf: {  	s6 =	sadd.s32 $0x51000, s6;
	s5 =	sadd.s32 $0x1000, s7;
	[dreg:$0x7] =	wrdreg s7  }
0x10: {  	s25 =	sadd.s32 $0x2000, s7;
	s26 =	sadd.s32 $0x3000, s7;
	[dreg:$0x3] =	wrdreg s6  }
0x11: {  	v2 =	vlaneseq.u32;
	s7 =	sadd.s32 $0x51500, s0;
	s8 =	smax.u32 s1, $0x1;
	[dreg:$0x4] =	wrdreg s5  }
0x12: {  	vm0 =	vmmov $0xffff;
	v1 =	vshrl.u32 v2, $0x3;
	s5 =	sadd.s32 $0x51300, s0;
	[dreg:$0x5] =	wrdreg s25;
	s6 =	sadd.s32 $0x51400, s0  }
0x13: {  	v0 =	vand.u32 $0x7, v2;
	v2 =	vor.u32 $0x8, v2;
	v1 =	vmul.u32 $0x8, v1;
	[dreg:$0x6] =	wrdreg s26;
	s26 =	simm.s32 $0x1;
	s25 =	simm.s32 $0x2080  }
.LBB2_1:
0x14: {  	s21 =	rddreg [dreg:$0x3];
	s0 =	simm.s32 $0x3  }
0x15: {  	[tilespmem:s2], [sflag:$0x3] =	stream.linear.gather [hbm4b:s21+s2], $0x80, $0x38;
	[tilespmem:$0x10080] =	vst v63  }
0x16: {  	_ =	swait.ge [sflag:s0], $0x80  }
0x17: {  	[sflag:s0] =	ssyncset.done $0x0  }
0x18: {  	[sflag:s0] =	ssyncadd.s32 $0xFFFFFF80  }
0x19: {  	v3 =	vld [tilespmem:$0x0];
	_ =	sdelay $0x4  }
0x1a: {  	v4 =	vshll.u32 v3, $0x3  }
0x1b: {  	v3 =	vand.u32 $0x7, v3;
	v4 =	vand.u32 $0xFFFFFFC0, v4  }
0x1c: {  	v3 =	vor.u32 v3, v4  }
0x1d: {  	v4 =	vperm.xlane v3, v0;
	_ =	sdelay $0x1  }
0x1e: {  	v4 =	vadd.s32 v1, v4;
	_ =	sdelay $0x4  }
0x1f: {  	[tilespmem:s28], [sflag:$0x1] =	stream.indirect_vreg.gather [hbm4b:s3+s2], $0x80, v4, vm0, $0xb8;
	[tilespmem:$0x10080] =	vst v63  }
0x20: {  	v3 =	vperm.xlane v3, v2  }
0x21: {  	[tilespmem:s22], [sflag:$0x1] =	stream.indirect_vreg.gather [hbm4b:s5+s2], $0x80, v4, vm0, $0xb8;
	[tilespmem:$0x10080] =	vst v63  }
0x22: {  	v3 =	vadd.s32 v1, v3  }
0x23: {  	[tilespmem:s23], [sflag:$0x1] =	stream.indirect_vreg.gather [hbm4b:s6+s2], $0x80, v4, vm0, $0xb8;
	[tilespmem:$0x10080] =	vst v63  }
0x24: {  	_ = 	snop  }
0x25: {  	[tilespmem:s24], [sflag:$0x1] =	stream.indirect_vreg.gather [hbm4b:s7+s2], $0x80, v4, vm0, $0xb8;
	[tilespmem:$0x10080] =	vst v63  }
0x26: {  	_ = 	snop  }
0x27: {  	[tilespmem:s25], [sflag:$0x1] =	stream.indirect_vreg.gather [hbm4b:s3+s2], $0x80, v3, vm0, $0xb8;
	[tilespmem:$0x10080] =	vst v63  }
0x28: {  	_ = 	snop  }
0x29: {  	[tilespmem:s29], [sflag:$0x1] =	stream.indirect_vreg.gather [hbm4b:s5+s2], $0x80, v3, vm0, $0xb8;
	[tilespmem:$0x10080] =	vst v63  }
0x2a: {  	_ = 	snop  }
0x2b: {  	[tilespmem:s30], [sflag:$0x1] =	stream.indirect_vreg.gather [hbm4b:s6+s2], $0x80, v3, vm0, $0xb8;
	[tilespmem:$0x10080] =	vst v63  }
0x2c: {  	_ = 	snop  }
0x2d: {  	[tilespmem:s31], [sflag:$0x1] =	stream.indirect_vreg.gather [hbm4b:s7+s2], $0x80, v3, vm0, $0xb8;
	[tilespmem:$0x10080] =	vst v63  }
0x2e: {  	v3 =	vld [tilespmem:$0x10];
	_ =	sdelay $0x4  }
0x2f: {  	v57 =	vshll.u32 v3, $0x3  }
0x30: {  	v3 =	vand.u32 $0x7, v3;
	v4 =	vand.u32 $0xFFFFFFC0, v57  }
0x31: {  	v3 =	vor.u32 v3, v4  }
0x32: {  	v4 =	vperm.xlane v3, v0;
	_ =	sdelay $0x1  }
0x33: {  	v4 =	vadd.s32 v1, v4;
	_ =	sdelay $0x4  }
0x34: {  	[tilespmem:s4], [sflag:$0x1] =	stream.indirect_vreg.gather [hbm4b:s3+s2], $0x80, v4, vm0, $0xb8;
	[tilespmem:$0x10080] =	vst v63  }
0x35: {  	s1 =	simm.s32 $0x4880;
	v3 =	vperm.xlane v3, v2  }
0x36: {  	[tilespmem:s1], [sflag:$0x1] =	stream.indirect_vreg.gather [hbm4b:s5+s2], $0x80, v4, vm0, $0xb8;
	[tilespmem:$0x10080] =	vst v63  }
0x37: {  	v3 =	vadd.s32 v1, v3  }
0x38: {  	[tilespmem:s11], [sflag:$0x1] =	stream.indirect_vreg.gather [hbm4b:s6+s2], $0x80, v4, vm0, $0xb8;
	[tilespmem:$0x10080] =	vst v63  }
0x39: {  	_ = 	snop  }
0x3a: {  	[tilespmem:s12], [sflag:$0x1] =	stream.indirect_vreg.gather [hbm4b:s7+s2], $0x80, v4, vm0, $0xb8;
	[tilespmem:$0x10080] =	vst v63  }
0x3b: {  	_ = 	snop  }
0x3c: {  	[tilespmem:s13], [sflag:$0x1] =	stream.indirect_vreg.gather [hbm4b:s3+s2], $0x80, v3, vm0, $0xb8;
	[tilespmem:$0x10080] =	vst v63  }
0x3d: {  	_ = 	snop  }
0x3e: {  	[tilespmem:s14], [sflag:$0x1] =	stream.indirect_vreg.gather [hbm4b:s5+s2], $0x80, v3, vm0, $0xb8;
	[tilespmem:$0x10080] =	vst v63  }
0x3f: {  	_ = 	snop  }
0x40: {  	[tilespmem:s15], [sflag:$0x1] =	stream.indirect_vreg.gather [hbm4b:s6+s2], $0x80, v3, vm0, $0xb8;
	[tilespmem:$0x10080] =	vst v63  }
0x41: {  	_ = 	snop  }
0x42: {  	[tilespmem:s16], [sflag:$0x1] =	stream.indirect_vreg.gather [hbm4b:s7+s2], $0x80, v3, vm0, $0xb8;
	[tilespmem:$0x10080] =	vst v63  }
0x43: {  	_ =	swait.ge [sflag:s26], $0x8000  }
0x44: {  	[sflag:s26] =	ssyncset.done $0x0  }
0x45: {  	s0 =	rddreg [dreg:$0x7];
	[sflag:s26] =	ssyncadd.s32 $0xFFFF8000  }
0x46: {  	[hbm4b:s0+s2] =	stream.linear.scatter [tilespmem:s28], [sflag:$0x2], $0x8000, $0x38;
	[tilespmem:$0x10080] =	vst v63  }
0x47: {  	v3 =	vld [tilespmem:$0x20];
	_ =	sdelay $0x4  }
0x48: {  	v58 =	vshll.u32 v3, $0x3  }
0x49: {  	v3 =	vand.u32 $0x7, v3;
	v4 =	vand.u32 $0xFFFFFFC0, v58  }
0x4a: {  	v3 =	vor.u32 v3, v4  }
0x4b: {  	v4 =	vperm.xlane v3, v0;
	_ =	sdelay $0x1  }
0x4c: {  	v4 =	vadd.s32 v1, v4;
	_ =	sdelay $0x3  }
0x4d: {  	s0 =	simm.s32 $0x8080  }
0x4e: {  	[tilespmem:s0], [sflag:$0x1] =	stream.indirect_vreg.gather [hbm4b:s3+s2], $0x80, v4, vm0, $0xb8;
	[tilespmem:$0x10080] =	vst v63  }
0x4f: {  	v3 =	vperm.xlane v3, v2  }
0x50: {  	[tilespmem:s17], [sflag:$0x1] =	stream.indirect_vreg.gather [hbm4b:s5+s2], $0x80, v4, vm0, $0xb8;
	[tilespmem:$0x10080] =	vst v63  }
0x51: {  	v3 =	vadd.s32 v1, v3  }
0x52: {  	[tilespmem:s18], [sflag:$0x1] =	stream.indirect_vreg.gather [hbm4b:s6+s2], $0x80, v4, vm0, $0xb8;
	[tilespmem:$0x10080] =	vst v63  }
0x53: {  	_ = 	snop  }
0x54: {  	[tilespmem:s19], [sflag:$0x1] =	stream.indirect_vreg.gather [hbm4b:s7+s2], $0x80, v4, vm0, $0xb8;
	[tilespmem:$0x10080] =	vst v63  }
0x55: {  	s9 =	simm.s32 $0xA080  }
0x56: {  	[tilespmem:s9], [sflag:$0x1] =	stream.indirect_vreg.gather [hbm4b:s3+s2], $0x80, v3, vm0, $0xb8;
	[tilespmem:$0x10080] =	vst v63  }
0x57: {  	s9 =	simm.s32 $0xA880  }
0x58: {  	[tilespmem:s9], [sflag:$0x1] =	stream.indirect_vreg.gather [hbm4b:s5+s2], $0x80, v3, vm0, $0xb8;
	[tilespmem:$0x10080] =	vst v63  }
0x59: {  	_ = 	snop  }
0x5a: {  	[tilespmem:s10], [sflag:$0x1] =	stream.indirect_vreg.gather [hbm4b:s6+s2], $0x80, v3, vm0, $0xb8;
	[tilespmem:$0x10080] =	vst v63  }
0x5b: {  	s21 =	simm.s32 $0xB880  }
0x5c: {  	[tilespmem:s21], [sflag:$0x1] =	stream.indirect_vreg.gather [hbm4b:s7+s2], $0x80, v3, vm0, $0xb8;
	[tilespmem:$0x10080] =	vst v63  }
0x5d: {  	v3 =	vld [tilespmem:$0x30];
	_ =	sdelay $0x4  }
0x5e: {  	v59 =	vshll.u32 v3, $0x3  }
0x5f: {  	v3 =	vand.u32 $0x7, v3;
	v4 =	vand.u32 $0xFFFFFFC0, v59  }
0x60: {  	v3 =	vor.u32 v3, v4  }
0x61: {  	v4 =	vperm.xlane v3, v0;
	_ =	sdelay $0x1  }
0x62: {  	v4 =	vadd.s32 v1, v4;
	_ =	sdelay $0x3  }
0x63: {  	s21 =	simm.s32 $0xC080  }
0x64: {  	[tilespmem:s21], [sflag:$0x1] =	stream.indirect_vreg.gather [hbm4b:s3+s2], $0x80, v4, vm0, $0xb8;
	[tilespmem:$0x10080] =	vst v63  }
0x65: {  	v3 =	vperm.xlane v3, v2;
	s21 =	simm.s32 $0xC880  }
0x66: {  	[tilespmem:s21], [sflag:$0x1] =	stream.indirect_vreg.gather [hbm4b:s5+s2], $0x80, v4, vm0, $0xb8;
	[tilespmem:$0x10080] =	vst v63  }
0x67: {  	v3 =	vadd.s32 v1, v3;
	s21 =	simm.s32 $0xD080  }
0x68: {  	[tilespmem:s21], [sflag:$0x1] =	stream.indirect_vreg.gather [hbm4b:s6+s2], $0x80, v4, vm0, $0xb8;
	[tilespmem:$0x10080] =	vst v63  }
0x69: {  	s21 =	simm.s32 $0xD880  }
0x6a: {  	[tilespmem:s21], [sflag:$0x1] =	stream.indirect_vreg.gather [hbm4b:s7+s2], $0x80, v4, vm0, $0xb8;
	[tilespmem:$0x10080] =	vst v63  }
0x6b: {  	s21 =	simm.s32 $0xE080  }
0x6c: {  	[tilespmem:s21], [sflag:$0x1] =	stream.indirect_vreg.gather [hbm4b:s3+s2], $0x80, v3, vm0, $0xb8;
	[tilespmem:$0x10080] =	vst v63  }
0x6d: {  	s21 =	simm.s32 $0xE880  }
0x6e: {  	[tilespmem:s21], [sflag:$0x1] =	stream.indirect_vreg.gather [hbm4b:s5+s2], $0x80, v3, vm0, $0xb8;
	[tilespmem:$0x10080] =	vst v63  }
0x6f: {  	s21 =	simm.s32 $0xF080  }
0x70: {  	[tilespmem:s21], [sflag:$0x1] =	stream.indirect_vreg.gather [hbm4b:s6+s2], $0x80, v3, vm0, $0xb8;
	[tilespmem:$0x10080] =	vst v63  }
0x71: {  	s21 =	simm.s32 $0xF880  }
0x72: {  	[tilespmem:s21], [sflag:$0x1] =	stream.indirect_vreg.gather [hbm4b:s7+s2], $0x80, v3, vm0, $0xb8;
	[tilespmem:$0x10080] =	vst v63  }
0x73: {  	_ =	swait.ge [sflag:s26], $0x8000  }
0x74: {  	[sflag:s26] =	ssyncset.done $0x0  }
0x75: {  	s21 =	rddreg [dreg:$0x4];
	[sflag:s26] =	ssyncadd.s32 $0xFFFF8000  }
0x76: {  	[hbm4b:s21+s2] =	stream.linear.scatter [tilespmem:s0], [sflag:$0x2], $0x8000, $0x38;
	[tilespmem:$0x10080] =	vst v63  }
0x77: {  	_ =	swait.ge [sflag:s20], $0x8000  }
0x78: {  	[sflag:s20] =	ssyncset.done $0x0  }
0x79: {  	[sflag:s20] =	ssyncadd.s32 $0xFFFF8000  }
0x7a: {  	v3 =	vld [tilespmem:$0x40];
	_ =	sdelay $0x4  }
0x7b: {  	v60 =	vshll.u32 v3, $0x3  }
0x7c: {  	v3 =	vand.u32 $0x7, v3;
	v4 =	vand.u32 $0xFFFFFFC0, v60  }
0x7d: {  	v3 =	vor.u32 v3, v4  }
0x7e: {  	v4 =	vperm.xlane v3, v0;
	_ =	sdelay $0x1  }
0x7f: {  	v4 =	vadd.s32 v1, v4;
	_ =	sdelay $0x4  }
0x80: {  	[tilespmem:s28], [sflag:$0x1] =	stream.indirect_vreg.gather [hbm4b:s3+s2], $0x80, v4, vm0, $0xb8;
	[tilespmem:$0x10080] =	vst v63  }
0x81: {  	v3 =	vperm.xlane v3, v2  }
0x82: {  	[tilespmem:s22], [sflag:$0x1] =	stream.indirect_vreg.gather [hbm4b:s5+s2], $0x80, v4, vm0, $0xb8;
	[tilespmem:$0x10080] =	vst v63  }
0x83: {  	v3 =	vadd.s32 v1, v3  }
0x84: {  	[tilespmem:s23], [sflag:$0x1] =	stream.indirect_vreg.gather [hbm4b:s6+s2], $0x80, v4, vm0, $0xb8;
	[tilespmem:$0x10080] =	vst v63  }
0x85: {  	_ = 	snop  }
0x86: {  	[tilespmem:s24], [sflag:$0x1] =	stream.indirect_vreg.gather [hbm4b:s7+s2], $0x80, v4, vm0, $0xb8;
	[tilespmem:$0x10080] =	vst v63  }
0x87: {  	_ = 	snop  }
0x88: {  	[tilespmem:s25], [sflag:$0x1] =	stream.indirect_vreg.gather [hbm4b:s3+s2], $0x80, v3, vm0, $0xb8;
	[tilespmem:$0x10080] =	vst v63  }
0x89: {  	_ = 	snop  }
0x8a: {  	[tilespmem:s29], [sflag:$0x1] =	stream.indirect_vreg.gather [hbm4b:s5+s2], $0x80, v3, vm0, $0xb8;
	[tilespmem:$0x10080] =	vst v63  }
0x8b: {  	_ = 	snop  }
0x8c: {  	[tilespmem:s30], [sflag:$0x1] =	stream.indirect_vreg.gather [hbm4b:s6+s2], $0x80, v3, vm0, $0xb8;
	[tilespmem:$0x10080] =	vst v63  }
0x8d: {  	_ = 	snop  }
0x8e: {  	[tilespmem:s31], [sflag:$0x1] =	stream.indirect_vreg.gather [hbm4b:s7+s2], $0x80, v3, vm0, $0xb8;
	[tilespmem:$0x10080] =	vst v63  }
0x8f: {  	v3 =	vld [tilespmem:$0x50];
	_ =	sdelay $0x4  }
0x90: {  	v61 =	vshll.u32 v3, $0x3  }
0x91: {  	v3 =	vand.u32 $0x7, v3;
	v4 =	vand.u32 $0xFFFFFFC0, v61  }
0x92: {  	v3 =	vor.u32 v3, v4  }
0x93: {  	v4 =	vperm.xlane v3, v0;
	_ =	sdelay $0x1  }
0x94: {  	v4 =	vadd.s32 v1, v4;
	_ =	sdelay $0x4  }
0x95: {  	[tilespmem:s4], [sflag:$0x1] =	stream.indirect_vreg.gather [hbm4b:s3+s2], $0x80, v4, vm0, $0xb8;
	[tilespmem:$0x10080] =	vst v63  }
0x96: {  	v3 =	vperm.xlane v3, v2  }
0x97: {  	[tilespmem:s1], [sflag:$0x1] =	stream.indirect_vreg.gather [hbm4b:s5+s2], $0x80, v4, vm0, $0xb8;
	[tilespmem:$0x10080] =	vst v63  }
0x98: {  	v3 =	vadd.s32 v1, v3  }
0x99: {  	[tilespmem:s11], [sflag:$0x1] =	stream.indirect_vreg.gather [hbm4b:s6+s2], $0x80, v4, vm0, $0xb8;
	[tilespmem:$0x10080] =	vst v63  }
0x9a: {  	_ = 	snop  }
0x9b: {  	[tilespmem:s12], [sflag:$0x1] =	stream.indirect_vreg.gather [hbm4b:s7+s2], $0x80, v4, vm0, $0xb8;
	[tilespmem:$0x10080] =	vst v63  }
0x9c: {  	_ = 	snop  }
0x9d: {  	[tilespmem:s13], [sflag:$0x1] =	stream.indirect_vreg.gather [hbm4b:s3+s2], $0x80, v3, vm0, $0xb8;
	[tilespmem:$0x10080] =	vst v63  }
0x9e: {  	_ = 	snop  }
0x9f: {  	[tilespmem:s14], [sflag:$0x1] =	stream.indirect_vreg.gather [hbm4b:s5+s2], $0x80, v3, vm0, $0xb8;
	[tilespmem:$0x10080] =	vst v63  }
0xa0: {  	_ = 	snop  }
0xa1: {  	[tilespmem:s15], [sflag:$0x1] =	stream.indirect_vreg.gather [hbm4b:s6+s2], $0x80, v3, vm0, $0xb8;
	[tilespmem:$0x10080] =	vst v63  }
0xa2: {  	_ = 	snop  }
0xa3: {  	[tilespmem:s16], [sflag:$0x1] =	stream.indirect_vreg.gather [hbm4b:s7+s2], $0x80, v3, vm0, $0xb8;
	[tilespmem:$0x10080] =	vst v63  }
0xa4: {  	_ =	swait.ge [sflag:s26], $0x8000  }
0xa5: {  	[sflag:s26] =	ssyncset.done $0x0  }
0xa6: {  	s1 =	rddreg [dreg:$0x5];
	[sflag:s26] =	ssyncadd.s32 $0xFFFF8000  }
0xa7: {  	[hbm4b:s1+s2] =	stream.linear.scatter [tilespmem:s28], [sflag:$0x2], $0x8000, $0x38;
	[tilespmem:$0x10080] =	vst v63  }
0xa8: {  	_ =	swait.ge [sflag:s20], $0x8000  }
0xa9: {  	[sflag:s20] =	ssyncset.done $0x0  }
0xaa: {  	[sflag:s20] =	ssyncadd.s32 $0xFFFF8000  }
0xab: {  	v3 =	vld [tilespmem:$0x60];
	_ =	sdelay $0x4  }
0xac: {  	v62 =	vshll.u32 v3, $0x3  }
0xad: {  	v3 =	vand.u32 $0x7, v3;
	v4 =	vand.u32 $0xFFFFFFC0, v62  }
0xae: {  	v3 =	vor.u32 v3, v4  }
0xaf: {  	v4 =	vperm.xlane v3, v0;
	_ =	sdelay $0x1  }
0xb0: {  	v4 =	vadd.s32 v1, v4;
	_ =	sdelay $0x4  }
0xb1: {  	[tilespmem:s0], [sflag:$0x1] =	stream.indirect_vreg.gather [hbm4b:s3+s2], $0x80, v4, vm0, $0xb8;
	[tilespmem:$0x10080] =	vst v63  }
0xb2: {  	v3 =	vperm.xlane v3, v2  }
0xb3: {  	[tilespmem:s17], [sflag:$0x1] =	stream.indirect_vreg.gather [hbm4b:s5+s2], $0x80, v4, vm0, $0xb8;
	[tilespmem:$0x10080] =	vst v63  }
0xb4: {  	v3 =	vadd.s32 v1, v3  }
0xb5: {  	[tilespmem:s18], [sflag:$0x1] =	stream.indirect_vreg.gather [hbm4b:s6+s2], $0x80, v4, vm0, $0xb8;
	[tilespmem:$0x10080] =	vst v63  }
0xb6: {  	_ = 	snop  }
0xb7: {  	[tilespmem:s19], [sflag:$0x1] =	stream.indirect_vreg.gather [hbm4b:s7+s2], $0x80, v4, vm0, $0xb8;
	[tilespmem:$0x10080] =	vst v63  }
0xb8: {  	s21 =	simm.s32 $0xA080  }
0xb9: {  	[tilespmem:s21], [sflag:$0x1] =	stream.indirect_vreg.gather [hbm4b:s3+s2], $0x80, v3, vm0, $0xb8;
	[tilespmem:$0x10080] =	vst v63  }
0xba: {  	_ = 	snop  }
0xbb: {  	[tilespmem:s9], [sflag:$0x1] =	stream.indirect_vreg.gather [hbm4b:s5+s2], $0x80, v3, vm0, $0xb8;
	[tilespmem:$0x10080] =	vst v63  }
0xbc: {  	_ = 	snop  }
0xbd: {  	[tilespmem:s10], [sflag:$0x1] =	stream.indirect_vreg.gather [hbm4b:s6+s2], $0x80, v3, vm0, $0xb8;
	[tilespmem:$0x10080] =	vst v63  }
0xbe: {  	s21 =	simm.s32 $0xB880  }
0xbf: {  	[tilespmem:s21], [sflag:$0x1] =	stream.indirect_vreg.gather [hbm4b:s7+s2], $0x80, v3, vm0, $0xb8;
	[tilespmem:$0x10080] =	vst v63  }
0xc0: {  	v3 =	vld [tilespmem:$0x70];
	_ =	sdelay $0x4  }
0xc1: {  	v63 =	vshll.u32 v3, $0x3  }
0xc2: {  	v3 =	vand.u32 $0x7, v3;
	v4 =	vand.u32 $0xFFFFFFC0, v63  }
0xc3: {  	v3 =	vor.u32 v3, v4  }
0xc4: {  	v4 =	vperm.xlane v3, v0;
	_ =	sdelay $0x1  }
0xc5: {  	v4 =	vadd.s32 v1, v4;
	_ =	sdelay $0x3  }
0xc6: {  	s9 =	simm.s32 $0xC080  }
0xc7: {  	[tilespmem:s9], [sflag:$0x1] =	stream.indirect_vreg.gather [hbm4b:s3+s2], $0x80, v4, vm0, $0xb8;
	[tilespmem:$0x10080] =	vst v63  }
0xc8: {  	s21 =	simm.s32 $0xC880;
	v3 =	vperm.xlane v3, v2  }
0xc9: {  	[tilespmem:s21], [sflag:$0x1] =	stream.indirect_vreg.gather [hbm4b:s5+s2], $0x80, v4, vm0, $0xb8;
	[tilespmem:$0x10080] =	vst v63  }
0xca: {  	v3 =	vadd.s32 v1, v3;
	s9 =	simm.s32 $0xD080  }
0xcb: {  	[tilespmem:s9], [sflag:$0x1] =	stream.indirect_vreg.gather [hbm4b:s6+s2], $0x80, v4, vm0, $0xb8;
	[tilespmem:$0x10080] =	vst v63  }
0xcc: {  	s21 =	simm.s32 $0xD880  }
0xcd: {  	[tilespmem:s21], [sflag:$0x1] =	stream.indirect_vreg.gather [hbm4b:s7+s2], $0x80, v4, vm0, $0xb8;
	[tilespmem:$0x10080] =	vst v63  }
0xce: {  	s9 =	simm.s32 $0xE080  }
0xcf: {  	[tilespmem:s9], [sflag:$0x1] =	stream.indirect_vreg.gather [hbm4b:s3+s2], $0x80, v3, vm0, $0xb8;
	[tilespmem:$0x10080] =	vst v63  }
0xd0: {  	s21 =	simm.s32 $0xE880  }
0xd1: {  	[tilespmem:s21], [sflag:$0x1] =	stream.indirect_vreg.gather [hbm4b:s5+s2], $0x80, v3, vm0, $0xb8;
	[tilespmem:$0x10080] =	vst v63  }
0xd2: {  	s9 =	simm.s32 $0xF080  }
0xd3: {  	[tilespmem:s9], [sflag:$0x1] =	stream.indirect_vreg.gather [hbm4b:s6+s2], $0x80, v3, vm0, $0xb8;
	[tilespmem:$0x10080] =	vst v63  }
0xd4: {  	s21 =	simm.s32 $0xF880  }
0xd5: {  	[tilespmem:s21], [sflag:$0x1] =	stream.indirect_vreg.gather [hbm4b:s7+s2], $0x80, v3, vm0, $0xb8;
	[tilespmem:$0x10080] =	vst v63  }
0xd6: {  	_ =	swait.ge [sflag:s26], $0x8000  }
0xd7: {  	[sflag:s26] =	ssyncset.done $0x0  }
0xd8: {  	s9 =	rddreg [dreg:$0x6];
	[sflag:s26] =	ssyncadd.s32 $0xFFFF8000  }
0xd9: {  	[hbm4b:s9+s2] =	stream.linear.scatter [tilespmem:s0], [sflag:$0x2], $0x8000, $0x38;
	[tilespmem:$0x10080] =	vst v63  }
0xda: {  	p0 =	sne.s32 s8, $0x1;
	_ =	swait.ge [sflag:s20], $0x8000  }
.Ltmp0:
0xdb: {  	[sflag:s20] =	ssyncset.done $0x0;
	(pc) =	sbr.rel @p0 .LBB2_1-.Ltmp0, $4  }
0xdc: {  	[sflag:s20] =	ssyncadd.s32 $0xFFFF8000  }
0xdd: {  	_ =	swait.ge [sflag:s20], $0x8000  }
0xde: {  	[sflag:s20] =	ssyncset.done $0x0  }
0xdf: {  	s8 =	sadd.s32 $0xFFFFFFFF, s8;
	[sflag:s20] =	ssyncadd.s32 $0xFFFF8000  }
0xe0: {  	_ =	sfence.sel $0x180000  }
0xe1: {  	[bflag:$0x0] =	sbarrier.arrive $0xFFFF  }
0xe2: {  	_ =	strace $0x9000004A  }
0xe3: {  	s0 =	stileid.u32;
	[bflag:$0x2] =	sbarrier.arrive $0xFFFF  }
0xe4: {  	p0 =	sne.s32 s0, $0x0;
	s0 =	rddreg [dreg:$0x2]  }
0xe5: {  	s0 =	sadd.s32 @!p0 $0x100000, s0  }
0xe6: {  	[sflag:s0] =	ssyncadd.tile.s32 @!p0 $0x1;
	_ =	shalt  }
.Lfunc_end2:
_tile_overlayer_lowered:
.L_overlay_start_2:
0xe7: {  	(tag) =	ssettag $0x2  }
0xe8: {  	s0 =	rddreg [dreg:$0x0];
	s2 =	stileid.u32  }
0xe9: {  	s1 =	rddreg [dreg:$0x1];
	p0 =	sne.s32 s2, $0x0  }
0xea: {  	s3 =	rddreg [dreg:$0x2];
	[bflag:$0x3] =	sbarrier.arrive $0xFFFF;
	s2 =	simm.s32 @!p0 $0x1C03  }
0xeb: {  	[timem:s3], [sflag:s2] =	dma.local @!p0 [hbm:s0], s1  }
0xec: {  	s0 =	simm.s32 @!p0 $0x3  }
0xed: {  	_ =	swait.ge @!p0 [sflag:s0], s1  }
0xee: {  	s1 =	ssub.s32 @!p0 $0x0, s1;
	[sflag:s0] =	ssyncset.done @!p0 $0x0  }
0xef: {  	[sflag:s0] =	ssyncadd.s32 @!p0 s1  }
0xf0: {  	[bflag:$0x3] =	sbarrier.arrive $0xFFFF  }
0xf1: {  	_ =	shalt  }

</sc_bundles>
